<compile_context>
chip_gen: v7x
topology: tpu7x:2x2x1
jax: 0.10.2.dev20260603
libtpu: 0.0.44.dev20260713+nightly
codegen_flags: <defaults>
</compile_context>

<pallas_src>
import jax
import jax.numpy as jnp
from jax import lax
from jax.experimental import pallas as pl
from jax.experimental.pallas import tpu as pltpu
from jax.experimental.pallas import tpu_sc as plsc

_LANES = 16


def _sc_routing_kernel(idx_hbm, wgt_hbm, tvec_hbm, w_hbm,
                       idx_v, wgt_v, tvec_v, dest_v, zero_v, acc_v, acc_shared):
    cid = lax.axis_index("c")
    sid = lax.axis_index("s")
    num_pairs = idx_v.shape[0]
    num_tokens = tvec_v.shape[0] // 2

    @pl.when((cid == 0) & (sid == 0))
    def _():
        pltpu.sync_copy(idx_hbm, idx_v)
        pltpu.sync_copy(wgt_hbm, wgt_v)
        pltpu.sync_copy(tvec_hbm, tvec_v)
        for i in range(zero_v.shape[0] // _LANES):
            zero_v[pl.ds(i * _LANES, _LANES)] = jnp.zeros((_LANES,), jnp.float32)
        for i in range(num_pairs // _LANES):
            chunk_e = idx_v[pl.ds(i * _LANES, _LANES)]
            chunk_t = tvec_v[pl.ds(i * _LANES, _LANES)]
            dest_v[pl.ds(i * _LANES, _LANES)] = chunk_e * num_tokens + chunk_t
        pltpu.sync_copy(zero_v, acc_shared)
        pltpu.sync_copy(wgt_v, acc_shared.at[dest_v], add=True)
        pltpu.sync_copy(acc_shared, acc_v)
        pltpu.sync_copy(acc_v, w_hbm)


def _combine_map(expert_indices, expert_weights, num_experts):
    num_tokens, top_k = expert_indices.shape
    idx_flat = expert_indices.astype(jnp.int32).T.reshape(-1)
    wgt_flat = expert_weights.T.reshape(-1)
    tvec = jnp.tile(jnp.arange(num_tokens, dtype=jnp.int32), top_k)
    n = num_experts * num_tokens
    mesh = plsc.VectorSubcoreMesh(core_axis_name="c", subcore_axis_name="s")
    w_flat = pl.kernel(
        _sc_routing_kernel,
        out_type=jax.ShapeDtypeStruct((n,), jnp.float32),
        mesh=mesh,
        scratch_types=[
            pltpu.VMEM((idx_flat.shape[0],), jnp.int32),
            pltpu.VMEM((wgt_flat.shape[0],), jnp.float32),
            pltpu.VMEM((tvec.shape[0],), jnp.int32),
            pltpu.VMEM((idx_flat.shape[0],), jnp.int32),
            pltpu.VMEM((n,), jnp.float32),
            pltpu.VMEM((n,), jnp.float32),
            pltpu.MemorySpace.VMEM_SHARED((n,), jnp.float32),
        ],
    )(idx_flat, wgt_flat, tvec)
    return w_flat.reshape(num_experts, 1, num_tokens)


def _outer(x_ref, wmap_hbm, gup_hbm, down_hbm, out_ref):
    num_experts = gup_hbm.shape[0]
    interm = down_hbm.shape[1]
    out_ref[...] = jnp.zeros_like(out_ref)
    x = x_ref[...].astype(jnp.bfloat16)

    def body(w_blk, gup_blk, down_blk):
        gu = jnp.dot(x, gup_blk[0].astype(jnp.bfloat16),
                     preferred_element_type=jnp.float32)
        gate = gu[:, :interm]
        up = gu[:, interm:]
        act = (gate * jax.nn.sigmoid(gate) * up) * w_blk[0, 0, :][:, None]
        oe = jnp.dot(act.astype(jnp.bfloat16), down_blk[0].astype(jnp.bfloat16),
                     preferred_element_type=jnp.float32)
        out_ref[...] += oe

    pltpu.emit_pipeline(
        body,
        grid=(num_experts,),
        in_specs=[
            pl.BlockSpec((1, 1, wmap_hbm.shape[2]), lambda e: (e, 0, 0),
                         pipeline_mode=pl.Buffered(buffer_count=4)),
            pl.BlockSpec((1, gup_hbm.shape[1], gup_hbm.shape[2]),
                         lambda e: (e, 0, 0),
                         pipeline_mode=pl.Buffered(buffer_count=4)),
            pl.BlockSpec((1, interm, down_hbm.shape[2]), lambda e: (e, 0, 0),
                         pipeline_mode=pl.Buffered(buffer_count=4)),
        ],
    )(wmap_hbm, gup_hbm, down_hbm)


def kernel(hidden_states, gate_up_proj, down_proj, expert_indices, expert_weights):
    num_tokens, hidden = hidden_states.shape
    num_experts = gate_up_proj.shape[0]
    wmap = _combine_map(expert_indices, expert_weights, num_experts)

    return pl.pallas_call(
        _outer,
        in_specs=[
            pl.BlockSpec(memory_space=pltpu.MemorySpace.VMEM),
            pl.BlockSpec(memory_space=pltpu.MemorySpace.HBM),
            pl.BlockSpec(memory_space=pltpu.MemorySpace.HBM),
            pl.BlockSpec(memory_space=pltpu.MemorySpace.HBM),
        ],
        out_specs=pl.BlockSpec(memory_space=pltpu.MemorySpace.VMEM),
        out_shape=jax.ShapeDtypeStruct((num_tokens, hidden), jnp.float32),
    )(hidden_states, wmap, gate_up_proj, down_proj)

# --- scband reference (transcript-rebuilt; emitter-appended) ---
"""Pipeline reference for scband-nkimo-eexpert-mlp-33243046871379 (READ-ONLY COPY).

The authoritative reference and input builder live on the scoring server;
editing this copy changes nothing except your own understanding.
"""

import jax, jax.numpy as jnp
import numpy as np

T, E, H, I, K = 128, 16, 1024, 512, 2

def setup_inputs(seed: int = 0) -> dict:
    key = jax.random.key(seed)
    k1, k2, k3, k4, k5 = jax.random.split(key, 5)
    hidden_states = jax.random.normal(k1, (T, H), dtype=jnp.float32)
    gate_up_proj = jax.random.normal(k2, (E, H, 2 * I), dtype=jnp.float32)
    down_proj = jax.random.normal(k3, (E, I, H), dtype=jnp.float32)
    expert_indices = jax.random.randint(k4, (T, K), 0, E, dtype=jnp.int64)
    expert_weights = jax.random.uniform(k5, (T, K), dtype=jnp.float32)
    return {
        "hidden_states": hidden_states,
        "gate_up_proj": gate_up_proj,
        "down_proj": down_proj,
        "expert_indices": expert_indices,
        "expert_weights": expert_weights,
    }

def reference(hidden_states, gate_up_proj, down_proj, expert_indices, expert_weights):
    # Faithful translation of the torch fallback: for each token and each of its
    # top-k experts, compute silu(x @ W_gate) * (x @ W_up) @ W_down, weighted-sum.
    # Implemented by computing every expert on every token (same math), then
    # gathering the per-token top-k expert outputs and combining with weights.
    num_tokens = hidden_states.shape[0]
    interm = down_proj.shape[1]
    top_k = expert_indices.shape[1]
    # [E, T, 2I]
    gate_up = jnp.einsum('th,ehi->eti', hidden_states, gate_up_proj)
    gate = gate_up[..., :interm]
    up = gate_up[..., interm:]
    activated = jax.nn.silu(gate) * up
    # [E, T, H]
    expert_out = jnp.einsum('eti,eih->eth', activated, down_proj)
    tok = jnp.arange(num_tokens)
    output = jnp.zeros_like(hidden_states)
    for k in range(top_k):
        idx_k = expert_indices[:, k]
        out_k = expert_out[idx_k, tok]  # gather: [T, H]
        output = output + expert_weights[:, k][:, None] * out_k
    return output

if __name__ == "__main__":
    import jax
    _d = setup_inputs()
    print(jax.jit(kernel)(*tuple(_d.values())))

</pallas_src>

<mosaic_0001>
#map = affine_map<(d0, d1) -> (0)>
module attributes {stable_mosaic.version = 14 : i64} {
  func.func @_sc_routing_kernel(%arg0: i32, %arg1: i32, %arg2: memref<256xi32, #tpu.memory_space<hbm>>, %arg3: memref<256xf32, #tpu.memory_space<hbm>>, %arg4: memref<256xi32, #tpu.memory_space<hbm>>, %arg5: memref<2048xf32, #tpu.memory_space<hbm>>, %arg6: memref<256xi32, #tpu.memory_space<vmem>>, %arg7: memref<256xf32, #tpu.memory_space<vmem>>, %arg8: memref<256xi32, #tpu.memory_space<vmem>>, %arg9: memref<256xi32, #tpu.memory_space<vmem>>, %arg10: memref<2048xf32, #tpu.memory_space<vmem>>, %arg11: memref<2048xf32, #tpu.memory_space<vmem>>, %arg12: memref<2048xf32, #tpu.memory_space<vmem_shared>>) attributes {dimension_semantics = [#tpu.dimension_semantics<core_parallel>, #tpu.dimension_semantics<subcore_parallel>], iteration_bounds = array<i64: 2, 16>, scalar_prefetch = 0 : i64, scratch_operands = 7 : i64, tpu.core_type = #tpu.core_type<sc_vector_subcore>, window_params = [{transform_indices = #map}, {transform_indices = #map}, {transform_indices = #map}, {transform_indices = #map}]} {
    %eq3A = arith.constant 0 : i32
    %eq3A_0 = arith.cmpi eq, %arg0, %eq3A : i32
    %eq3A_1 = arith.constant 0 : i32
    %eq3A_2 = arith.cmpi eq, %arg1, %eq3A_1 : i32
    %and3A = arith.andi %eq3A_0, %eq3A_2 : i1
    %convert_element_type3A = arith.extui %and3A : i1 to i32
    %cond3A = arith.constant 0 : i32
    %cond3A_3 = arith.cmpi ne, %convert_element_type3A, %cond3A : i32
    scf.if %cond3A_3 {
      "tpu.region"() ({
        %run_scoped3A = tpu.sem_alloc : memref<!tpu.dma_semaphore, #tpu.memory_space<semaphore_mem>>
        tpu.enqueue_dma source(%arg2 : memref<256xi32, #tpu.memory_space<hbm>>) target(%arg6 : memref<256xi32, #tpu.memory_space<vmem>>) target_semaphore(%run_scoped3A : memref<!tpu.dma_semaphore, #tpu.memory_space<semaphore_mem>>)
        tpu.wait_dma2 semaphore(%run_scoped3A : memref<!tpu.dma_semaphore, #tpu.memory_space<semaphore_mem>>) src(%arg2 : memref<256xi32, #tpu.memory_space<hbm>>) dst(%arg6 : memref<256xi32, #tpu.memory_space<vmem>>)
        tpu.yield
      }) : () -> ()
      "tpu.region"() ({
        %run_scoped3A = tpu.sem_alloc : memref<!tpu.dma_semaphore, #tpu.memory_space<semaphore_mem>>
        tpu.enqueue_dma source(%arg3 : memref<256xf32, #tpu.memory_space<hbm>>) target(%arg7 : memref<256xf32, #tpu.memory_space<vmem>>) target_semaphore(%run_scoped3A : memref<!tpu.dma_semaphore, #tpu.memory_space<semaphore_mem>>)
        tpu.wait_dma2 semaphore(%run_scoped3A : memref<!tpu.dma_semaphore, #tpu.memory_space<semaphore_mem>>) src(%arg3 : memref<256xf32, #tpu.memory_space<hbm>>) dst(%arg7 : memref<256xf32, #tpu.memory_space<vmem>>)
        tpu.yield
      }) : () -> ()
      "tpu.region"() ({
        %run_scoped3A = tpu.sem_alloc : memref<!tpu.dma_semaphore, #tpu.memory_space<semaphore_mem>>
        tpu.enqueue_dma source(%arg4 : memref<256xi32, #tpu.memory_space<hbm>>) target(%arg8 : memref<256xi32, #tpu.memory_space<vmem>>) target_semaphore(%run_scoped3A : memref<!tpu.dma_semaphore, #tpu.memory_space<semaphore_mem>>)
        tpu.wait_dma2 semaphore(%run_scoped3A : memref<!tpu.dma_semaphore, #tpu.memory_space<semaphore_mem>>) src(%arg4 : memref<256xi32, #tpu.memory_space<hbm>>) dst(%arg8 : memref<256xi32, #tpu.memory_space<vmem>>)
        tpu.yield
      }) : () -> ()
      %broadcast_in_dim3A = arith.constant 0.000000e+00 : f32
      %broadcast_in_dim3A_4 = vector.broadcast %broadcast_in_dim3A : f32 to vector<16xf32>
      %swap3A = arith.constant 0 : index
      %swap3A_5 = tpu.vector_load %arg10[%swap3A] {strides = array<i32>} : memref<2048xf32, #tpu.memory_space<vmem>>, vector<16xf32>,
      %swap3A_6 = vector.shape_cast %swap3A_5 : vector<16xf32> to vector<16xf32>
      %swap3A_7 = vector.shape_cast %broadcast_in_dim3A_4 : vector<16xf32> to vector<16xf32>
      tpu.vector_store %arg10[%swap3A], %swap3A_7 {strides = array<i32>} : memref<2048xf32, #tpu.memory_space<vmem>>, vector<16xf32>,
      %broadcast_in_dim3A_8 = arith.constant 0.000000e+00 : f32
      %broadcast_in_dim3A_9 = vector.broadcast %broadcast_in_dim3A_8 : f32 to vector<16xf32>
      %swap3A_10 = arith.constant 16 : index
      %swap3A_11 = tpu.vector_load %arg10[%swap3A_10] {strides = array<i32>} : memref<2048xf32, #tpu.memory_space<vmem>>, vector<16xf32>,
      %swap3A_12 = vector.shape_cast %swap3A_11 : vector<16xf32> to vector<16xf32>
      %swap3A_13 = vector.shape_cast %broadcast_in_dim3A_9 : vector<16xf32> to vector<16xf32>
      tpu.vector_store %arg10[%swap3A_10], %swap3A_13 {strides = array<i32>} : memref<2048xf32, #tpu.memory_space<vmem>>, vector<16xf32>,
      %broadcast_in_dim3A_14 = arith.constant 0.000000e+00 : f32
      %broadcast_in_dim3A_15 = vector.broadcast %broadcast_in_dim3A_14 : f32 to vector<16xf32>
      %swap3A_16 = arith.constant 32 : index
      %swap3A_17 = tpu.vector_load %arg10[%swap3A_16] {strides = array<i32>} : memref<2048xf32, #tpu.memory_space<vmem>>, vector<16xf32>,
      %swap3A_18 = vector.shape_cast %swap3A_17 : vector<16xf32> to vector<16xf32>
      %swap3A_19 = vector.shape_cast %broadcast_in_dim3A_15 : vector<16xf32> to vector<16xf32>
      tpu.vector_store %arg10[%swap3A_16], %swap3A_19 {strides = array<i32>} : memref<2048xf32, #tpu.memory_space<vmem>>, vector<16xf32>,
      %broadcast_in_dim3A_20 = arith.constant 0.000000e+00 : f32
      %broadcast_in_dim3A_21 = vector.broadcast %broadcast_in_dim3A_20 : f32 to vector<16xf32>
      %swap3A_22 = arith.constant 48 : index
      %swap3A_23 = tpu.vector_load %arg10[%swap3A_22] {strides = array<i32>} : memref<2048xf32, #tpu.memory_space<vmem>>, vector<16xf32>,
      %swap3A_24 = vector.shape_cast %swap3A_23 : vector<16xf32> to vector<16xf32>
      %swap3A_25 = vector.shape_cast %broadcast_in_dim3A_21 : vector<16xf32> to vector<16xf32>
      tpu.vector_store %arg10[%swap3A_22], %swap3A_25 {strides = array<i32>} : memref<2048xf32, #tpu.memory_space<vmem>>, vector<16xf32>,
      %broadcast_in_dim3A_26 = arith.constant 0.000000e+00 : f32
      %broadcast_in_dim3A_27 = vector.broadcast %broadcast_in_dim3A_26 : f32 to vector<16xf32>
      %swap3A_28 = arith.constant 64 : index
      %swap3A_29 = tpu.vector_load %arg10[%swap3A_28] {strides = array<i32>} : memref<2048xf32, #tpu.memory_space<vmem>>, vector<16xf32>,
      %swap3A_30 = vector.shape_cast %swap3A_29 : vector<16xf32> to vector<16xf32>
      %swap3A_31 = vector.shape_cast %broadcast_in_dim3A_27 : vector<16xf32> to vector<16xf32>
      tpu.vector_store %arg10[%swap3A_28], %swap3A_31 {strides = array<i32>} : memref<2048xf32, #tpu.memory_space<vmem>>, vector<16xf32>,
      %broadcast_in_dim3A_32 = arith.constant 0.000000e+00 : f32
      %broadcast_in_dim3A_33 = vector.broadcast %broadcast_in_dim3A_32 : f32 to vector<16xf32>
      %swap3A_34 = arith.constant 80 : index
      %swap3A_35 = tpu.vector_load %arg10[%swap3A_34] {strides = array<i32>} : memref<2048xf32, #tpu.memory_space<vmem>>, vector<16xf32>,
      %swap3A_36 = vector.shape_cast %swap3A_35 : vector<16xf32> to vector<16xf32>
      %swap3A_37 = vector.shape_cast %broadcast_in_dim3A_33 : vector<16xf32> to vector<16xf32>
      tpu.vector_store %arg10[%swap3A_34], %swap3A_37 {strides = array<i32>} : memref<2048xf32, #tpu.memory_space<vmem>>, vector<16xf32>,
      %broadcast_in_dim3A_38 = arith.constant 0.000000e+00 : f32
      %broadcast_in_dim3A_39 = vector.broadcast %broadcast_in_dim3A_38 : f32 to vector<16xf32>
      %swap3A_40 = arith.constant 96 : index
      %swap3A_41 = tpu.vector_load %arg10[%swap3A_40] {strides = array<i32>} : memref<2048xf32, #tpu.memory_space<vmem>>, vector<16xf32>,
      %swap3A_42 = vector.shape_cast %swap3A_41 : vector<16xf32> to vector<16xf32>
      %swap3A_43 = vector.shape_cast %broadcast_in_dim3A_39 : vector<16xf32> to vector<16xf32>
      tpu.vector_store %arg10[%swap3A_40], %swap3A_43 {strides = array<i32>} : memref<2048xf32, #tpu.memory_space<vmem>>, vector<16xf32>,
      %broadcast_in_dim3A_44 = arith.constant 0.000000e+00 : f32
      %broadcast_in_dim3A_45 = vector.broadcast %broadcast_in_dim3A_44 : f32 to vector<16xf32>
      %swap3A_46 = arith.constant 112 : index
      %swap3A_47 = tpu.vector_load %arg10[%swap3A_46] {strides = array<i32>} : memref<2048xf32, #tpu.memory_space<vmem>>, vector<16xf32>,
      %swap3A_48 = vector.shape_cast %swap3A_47 : vector<16xf32> to vector<16xf32>
      %swap3A_49 = vector.shape_cast %broadcast_in_dim3A_45 : vector<16xf32> to vector<16xf32>
      tpu.vector_store %arg10[%swap3A_46], %swap3A_49 {strides = array<i32>} : memref<2048xf32, #tpu.memory_space<vmem>>, vector<16xf32>,
      %broadcast_in_dim3A_50 = arith.constant 0.000000e+00 : f32
      %broadcast_in_dim3A_51 = vector.broadcast %broadcast_in_dim3A_50 : f32 to vector<16xf32>
      %swap3A_52 = arith.constant 128 : index
      %swap3A_53 = tpu.vector_load %arg10[%swap3A_52] {strides = array<i32>} : memref<2048xf32, #tpu.memory_space<vmem>>, vector<16xf32>,
      %swap3A_54 = vector.shape_cast %swap3A_53 : vector<16xf32> to vector<16xf32>
      %swap3A_55 = vector.shape_cast %broadcast_in_dim3A_51 : vector<16xf32> to vector<16xf32>
      tpu.vector_store %arg10[%swap3A_52], %swap3A_55 {strides = array<i32>} : memref<2048xf32, #tpu.memory_space<vmem>>, vector<16xf32>,
      %broadcast_in_dim3A_56 = arith.constant 0.000000e+00 : f32
      %broadcast_in_dim3A_57 = vector.broadcast %broadcast_in_dim3A_56 : f32 to vector<16xf32>
      %swap3A_58 = arith.constant 144 : index
      %swap3A_59 = tpu.vector_load %arg10[%swap3A_58] {strides = array<i32>} : memref<2048xf32, #tpu.memory_space<vmem>>, vector<16xf32>,
      %swap3A_60 = vector.shape_cast %swap3A_59 : vector<16xf32> to vector<16xf32>
      %swap3A_61 = vector.shape_cast %broadcast_in_dim3A_57 : vector<16xf32> to vector<16xf32>
      tpu.vector_store %arg10[%swap3A_58], %swap3A_61 {strides = array<i32>} : memref<2048xf32, #tpu.memory_space<vmem>>, vector<16xf32>,
      %broadcast_in_dim3A_62 = arith.constant 0.000000e+00 : f32
      %broadcast_in_dim3A_63 = vector.broadcast %broadcast_in_dim3A_62 : f32 to vector<16xf32>
      %swap3A_64 = arith.constant 160 : index
      %swap3A_65 = tpu.vector_load %arg10[%swap3A_64] {strides = array<i32>} : memref<2048xf32, #tpu.memory_space<vmem>>, vector<16xf32>,
      %swap3A_66 = vector.shape_cast %swap3A_65 : vector<16xf32> to vector<16xf32>
      %swap3A_67 = vector.shape_cast %broadcast_in_dim3A_63 : vector<16xf32> to vector<16xf32>
      tpu.vector_store %arg10[%swap3A_64], %swap3A_67 {strides = array<i32>} : memref<2048xf32, #tpu.memory_space<vmem>>, vector<16xf32>,
      %broadcast_in_dim3A_68 = arith.constant 0.000000e+00 : f32
      %broadcast_in_dim3A_69 = vector.broadcast %broadcast_in_dim3A_68 : f32 to vector<16xf32>
      %swap3A_70 = arith.constant 176 : index
      %swap3A_71 = tpu.vector_load %arg10[%swap3A_70] {strides = array<i32>} : memref<2048xf32, #tpu.memory_space<vmem>>, vector<16xf32>,
      %swap3A_72 = vector.shape_cast %swap3A_71 : vector<16xf32> to vector<16xf32>
      %swap3A_73 = vector.shape_cast %broadcast_in_dim3A_69 : vector<16xf32> to vector<16xf32>
      tpu.vector_store %arg10[%swap3A_70], %swap3A_73 {strides = array<i32>} : memref<2048xf32, #tpu.memory_space<vmem>>, vector<16xf32>,
      %broadcast_in_dim3A_74 = arith.constant 0.000000e+00 : f32
      %broadcast_in_dim3A_75 = vector.broadcast %broadcast_in_dim3A_74 : f32 to vector<16xf32>
      %swap3A_76 = arith.constant 192 : index
      %swap3A_77 = tpu.vector_load %arg10[%swap3A_76] {strides = array<i32>} : memref<2048xf32, #tpu.memory_space<vmem>>, vector<16xf32>,
      %swap3A_78 = vector.shape_cast %swap3A_77 : vector<16xf32> to vector<16xf32>
      %swap3A_79 = vector.shape_cast %broadcast_in_dim3A_75 : vector<16xf32> to vector<16xf32>
      tpu.vector_store %arg10[%swap3A_76], %swap3A_79 {strides = array<i32>} : memref<2048xf32, #tpu.memory_space<vmem>>, vector<16xf32>,
      %broadcast_in_dim3A_80 = arith.constant 0.000000e+00 : f32
      %broadcast_in_dim3A_81 = vector.broadcast %broadcast_in_dim3A_80 : f32 to vector<16xf32>
      %swap3A_82 = arith.constant 208 : index
      %swap3A_83 = tpu.vector_load %arg10[%swap3A_82] {strides = array<i32>} : memref<2048xf32, #tpu.memory_space<vmem>>, vector<16xf32>,
      %swap3A_84 = vector.shape_cast %swap3A_83 : vector<16xf32> to vector<16xf32>
      %swap3A_85 = vector.shape_cast %broadcast_in_dim3A_81 : vector<16xf32> to vector<16xf32>
      tpu.vector_store %arg10[%swap3A_82], %swap3A_85 {strides = array<i32>} : memref<2048xf32, #tpu.memory_space<vmem>>, vector<16xf32>,
      %broadcast_in_dim3A_86 = arith.constant 0.000000e+00 : f32
      %broadcast_in_dim3A_87 = vector.broadcast %broadcast_in_dim3A_86 : f32 to vector<16xf32>
      %swap3A_88 = arith.constant 224 : index
      %swap3A_89 = tpu.vector_load %arg10[%swap3A_88] {strides = array<i32>} : memref<2048xf32, #tpu.memory_space<vmem>>, vector<16xf32>,
      %swap3A_90 = vector.shape_cast %swap3A_89 : vector<16xf32> to vector<16xf32>
      %swap3A_91 = vector.shape_cast %broadcast_in_dim3A_87 : vector<16xf32> to vector<16xf32>
      tpu.vector_store %arg10[%swap3A_88], %swap3A_91 {strides = array<i32>} : memref<2048xf32, #tpu.memory_space<vmem>>, vector<16xf32>,
      %broadcast_in_dim3A_92 = arith.constant 0.000000e+00 : f32
      %broadcast_in_dim3A_93 = vector.broadcast %broadcast_in_dim3A_92 : f32 to vector<16xf32>
      %swap3A_94 = arith.constant 240 : index
      %swap3A_95 = tpu.vector_load %arg10[%swap3A_94] {strides = array<i32>} : memref<2048xf32, #tpu.memory_space<vmem>>, vector<16xf32>,
      %swap3A_96 = vector.shape_cast %swap3A_95 : vector<16xf32> to vector<16xf32>
      %swap3A_97 = vector.shape_cast %broadcast_in_dim3A_93 : vector<16xf32> to vector<16xf32>
      tpu.vector_store %arg10[%swap3A_94], %swap3A_97 {strides = array<i32>} : memref<2048xf32, #tpu.memory_space<vmem>>, vector<16xf32>,
      %broadcast_in_dim3A_98 = arith.constant 0.000000e+00 : f32
      %broadcast_in_dim3A_99 = vector.broadcast %broadcast_in_dim3A_98 : f32 to vector<16xf32>
      %swap3A_100 = arith.constant 256 : index
      %swap3A_101 = tpu.vector_load %arg10[%swap3A_100] {strides = array<i32>} : memref<2048xf32, #tpu.memory_space<vmem>>, vector<16xf32>,
      %swap3A_102 = vector.shape_cast %swap3A_101 : vector<16xf32> to vector<16xf32>
      %swap3A_103 = vector.shape_cast %broadcast_in_dim3A_99 : vector<16xf32> to vector<16xf32>
      tpu.vector_store %arg10[%swap3A_100], %swap3A_103 {strides = array<i32>} : memref<2048xf32, #tpu.memory_space<vmem>>, vector<16xf32>,
      %broadcast_in_dim3A_104 = arith.constant 0.000000e+00 : f32
      %broadcast_in_dim3A_105 = vector.broadcast %broadcast_in_dim3A_104 : f32 to vector<16xf32>
      %swap3A_106 = arith.constant 272 : index
      %swap3A_107 = tpu.vector_load %arg10[%swap3A_106] {strides = array<i32>} : memref<2048xf32, #tpu.memory_space<vmem>>, vector<16xf32>,
      %swap3A_108 = vector.shape_cast %swap3A_107 : vector<16xf32> to vector<16xf32>
      %swap3A_109 = vector.shape_cast %broadcast_in_dim3A_105 : vector<16xf32> to vector<16xf32>
      tpu.vector_store %arg10[%swap3A_106], %swap3A_109 {strides = array<i32>} : memref<2048xf32, #tpu.memory_space<vmem>>, vector<16xf32>,
      %broadcast_in_dim3A_110 = arith.constant 0.000000e+00 : f32
      %broadcast_in_dim3A_111 = vector.broadcast %broadcast_in_dim3A_110 : f32 to vector<16xf32>
      %swap3A_112 = arith.constant 288 : index
      %swap3A_113 = tpu.vector_load %arg10[%swap3A_112] {strides = array<i32>} : memref<2048xf32, #tpu.memory_space<vmem>>, vector<16xf32>,
      %swap3A_114 = vector.shape_cast %swap3A_113 : vector<16xf32> to vector<16xf32>
      %swap3A_115 = vector.shape_cast %broadcast_in_dim3A_111 : vector<16xf32> to vector<16xf32>
      tpu.vector_store %arg10[%swap3A_112], %swap3A_115 {strides = array<i32>} : memref<2048xf32, #tpu.memory_space<vmem>>, vector<16xf32>,
      %broadcast_in_dim3A_116 = arith.constant 0.000000e+00 : f32
      %broadcast_in_dim3A_117 = vector.broadcast %broadcast_in_dim3A_116 : f32 to vector<16xf32>
      %swap3A_118 = arith.constant 304 : index
      %swap3A_119 = tpu.vector_load %arg10[%swap3A_118] {strides = array<i32>} : memref<2048xf32, #tpu.memory_space<vmem>>, vector<16xf32>,
      %swap3A_120 = vector.shape_cast %swap3A_119 : vector<16xf32> to vector<16xf32>
      %swap3A_121 = vector.shape_cast %broadcast_in_dim3A_117 : vector<16xf32> to vector<16xf32>
      tpu.vector_store %arg10[%swap3A_118], %swap3A_121 {strides = array<i32>} : memref<2048xf32, #tpu.memory_space<vmem>>, vector<16xf32>,
      %broadcast_in_dim3A_122 = arith.constant 0.000000e+00 : f32
      %broadcast_in_dim3A_123 = vector.broadcast %broadcast_in_dim3A_122 : f32 to vector<16xf32>
      %swap3A_124 = arith.constant 320 : index
      %swap3A_125 = tpu.vector_load %arg10[%swap3A_124] {strides = array<i32>} : memref<2048xf32, #tpu.memory_space<vmem>>, vector<16xf32>,
      %swap3A_126 = vector.shape_cast %swap3A_125 : vector<16xf32> to vector<16xf32>
      %swap3A_127 = vector.shape_cast %broadcast_in_dim3A_123 : vector<16xf32> to vector<16xf32>
      tpu.vector_store %arg10[%swap3A_124], %swap3A_127 {strides = array<i32>} : memref<2048xf32, #tpu.memory_space<vmem>>, vector<16xf32>,
      %broadcast_in_dim3A_128 = arith.constant 0.000000e+00 : f32
      %broadcast_in_dim3A_129 = vector.broadcast %broadcast_in_dim3A_128 : f32 to vector<16xf32>
      %swap3A_130 = arith.constant 336 : index
      %swap3A_131 = tpu.vector_load %arg10[%swap3A_130] {strides = array<i32>} : memref<2048xf32, #tpu.memory_space<vmem>>, vector<16xf32>,
      %swap3A_132 = vector.shape_cast %swap3A_131 : vector<16xf32> to vector<16xf32>
      %swap3A_133 = vector.shape_cast %broadcast_in_dim3A_129 : vector<16xf32> to vector<16xf32>
      tpu.vector_store %arg10[%swap3A_130], %swap3A_133 {strides = array<i32>} : memref<2048xf32, #tpu.memory_space<vmem>>, vector<16xf32>,
      %broadcast_in_dim3A_134 = arith.constant 0.000000e+00 : f32
      %broadcast_in_dim3A_135 = vector.broadcast %broadcast_in_dim3A_134 : f32 to vector<16xf32>
      %swap3A_136 = arith.constant 352 : index
      %swap3A_137 = tpu.vector_load %arg10[%swap3A_136] {strides = array<i32>} : memref<2048xf32, #tpu.memory_space<vmem>>, vector<16xf32>,
      %swap3A_138 = vector.shape_cast %swap3A_137 : vector<16xf32> to vector<16xf32>
      %swap3A_139 = vector.shape_cast %broadcast_in_dim3A_135 : vector<16xf32> to vector<16xf32>
      tpu.vector_store %arg10[%swap3A_136], %swap3A_139 {strides = array<i32>} : memref<2048xf32, #tpu.memory_space<vmem>>, vector<16xf32>,
      %broadcast_in_dim3A_140 = arith.constant 0.000000e+00 : f32
      %broadcast_in_dim3A_141 = vector.broadcast %broadcast_in_dim3A_140 : f32 to vector<16xf32>
      %swap3A_142 = arith.constant 368 : index
      %swap3A_143 = tpu.vector_load %arg10[%swap3A_142] {strides = array<i32>} : memref<2048xf32, #tpu.memory_space<vmem>>, vector<16xf32>,
      %swap3A_144 = vector.shape_cast %swap3A_143 : vector<16xf32> to vector<16xf32>
      %swap3A_145 = vector.shape_cast %broadcast_in_dim3A_141 : vector<16xf32> to vector<16xf32>
      tpu.vector_store %arg10[%swap3A_142], %swap3A_145 {strides = array<i32>} : memref<2048xf32, #tpu.memory_space<vmem>>, vector<16xf32>,
      %broadcast_in_dim3A_146 = arith.constant 0.000000e+00 : f32
      %broadcast_in_dim3A_147 = vector.broadcast %broadcast_in_dim3A_146 : f32 to vector<16xf32>
      %swap3A_148 = arith.constant 384 : index
      %swap3A_149 = tpu.vector_load %arg10[%swap3A_148] {strides = array<i32>} : memref<2048xf32, #tpu.memory_space<vmem>>, vector<16xf32>,
      %swap3A_150 = vector.shape_cast %swap3A_149 : vector<16xf32> to vector<16xf32>
      %swap3A_151 = vector.shape_cast %broadcast_in_dim3A_147 : vector<16xf32> to vector<16xf32>
      tpu.vector_store %arg10[%swap3A_148], %swap3A_151 {strides = array<i32>} : memref<2048xf32, #tpu.memory_space<vmem>>, vector<16xf32>,
      %broadcast_in_dim3A_152 = arith.constant 0.000000e+00 : f32
      %broadcast_in_dim3A_153 = vector.broadcast %broadcast_in_dim3A_152 : f32 to vector<16xf32>
      %swap3A_154 = arith.constant 400 : index
      %swap3A_155 = tpu.vector_load %arg10[%swap3A_154] {strides = array<i32>} : memref<2048xf32, #tpu.memory_space<vmem>>, vector<16xf32>,
      %swap3A_156 = vector.shape_cast %swap3A_155 : vector<16xf32> to vector<16xf32>
      %swap3A_157 = vector.shape_cast %broadcast_in_dim3A_153 : vector<16xf32> to vector<16xf32>
      tpu.vector_store %arg10[%swap3A_154], %swap3A_157 {strides = array<i32>} : memref<2048xf32, #tpu.memory_space<vmem>>, vector<16xf32>,
      %broadcast_in_dim3A_158 = arith.constant 0.000000e+00 : f32
      %broadcast_in_dim3A_159 = vector.broadcast %broadcast_in_dim3A_158 : f32 to vector<16xf32>
      %swap3A_160 = arith.constant 416 : index
      %swap3A_161 = tpu.vector_load %arg10[%swap3A_160] {strides = array<i32>} : memref<2048xf32, #tpu.memory_space<vmem>>, vector<16xf32>,
      %swap3A_162 = vector.shape_cast %swap3A_161 : vector<16xf32> to vector<16xf32>
      %swap3A_163 = vector.shape_cast %broadcast_in_dim3A_159 : vector<16xf32> to vector<16xf32>
      tpu.vector_store %arg10[%swap3A_160], %swap3A_163 {strides = array<i32>} : memref<2048xf32, #tpu.memory_space<vmem>>, vector<16xf32>,
      %broadcast_in_dim3A_164 = arith.constant 0.000000e+00 : f32
      %broadcast_in_dim3A_165 = vector.broadcast %broadcast_in_dim3A_164 : f32 to vector<16xf32>
      %swap3A_166 = arith.constant 432 : index
      %swap3A_167 = tpu.vector_load %arg10[%swap3A_166] {strides = array<i32>} : memref<2048xf32, #tpu.memory_space<vmem>>, vector<16xf32>,
      %swap3A_168 = vector.shape_cast %swap3A_167 : vector<16xf32> to vector<16xf32>
      %swap3A_169 = vector.shape_cast %broadcast_in_dim3A_165 : vector<16xf32> to vector<16xf32>
      tpu.vector_store %arg10[%swap3A_166], %swap3A_169 {strides = array<i32>} : memref<2048xf32, #tpu.memory_space<vmem>>, vector<16xf32>,
      %broadcast_in_dim3A_170 = arith.constant 0.000000e+00 : f32
      %broadcast_in_dim3A_171 = vector.broadcast %broadcast_in_dim3A_170 : f32 to vector<16xf32>
      %swap3A_172 = arith.constant 448 : index
      %swap3A_173 = tpu.vector_load %arg10[%swap3A_172] {strides = array<i32>} : memref<2048xf32, #tpu.memory_space<vmem>>, vector<16xf32>,
      %swap3A_174 = vector.shape_cast %swap3A_173 : vector<16xf32> to vector<16xf32>
      %swap3A_175 = vector.shape_cast %broadcast_in_dim3A_171 : vector<16xf32> to vector<16xf32>
      tpu.vector_store %arg10[%swap3A_172], %swap3A_175 {strides = array<i32>} : memref<2048xf32, #tpu.memory_space<vmem>>, vector<16xf32>,
      %broadcast_in_dim3A_176 = arith.constant 0.000000e+00 : f32
      %broadcast_in_dim3A_177 = vector.broadcast %broadcast_in_dim3A_176 : f32 to vector<16xf32>
      %swap3A_178 = arith.constant 464 : index
      %swap3A_179 = tpu.vector_load %arg10[%swap3A_178] {strides = array<i32>} : memref<2048xf32, #tpu.memory_space<vmem>>, vector<16xf32>,
      %swap3A_180 = vector.shape_cast %swap3A_179 : vector<16xf32> to vector<16xf32>
      %swap3A_181 = vector.shape_cast %broadcast_in_dim3A_177 : vector<16xf32> to vector<16xf32>
      tpu.vector_store %arg10[%swap3A_178], %swap3A_181 {strides = array<i32>} : memref<2048xf32, #tpu.memory_space<vmem>>, vector<16xf32>,
      %broadcast_in_dim3A_182 = arith.constant 0.000000e+00 : f32
      %broadcast_in_dim3A_183 = vector.broadcast %broadcast_in_dim3A_182 : f32 to vector<16xf32>
      %swap3A_184 = arith.constant 480 : index
      %swap3A_185 = tpu.vector_load %arg10[%swap3A_184] {strides = array<i32>} : memref<2048xf32, #tpu.memory_space<vmem>>, vector<16xf32>,
      %swap3A_186 = vector.shape_cast %swap3A_185 : vector<16xf32> to vector<16xf32>
      %swap3A_187 = vector.shape_cast %broadcast_in_dim3A_183 : vector<16xf32> to vector<16xf32>
      tpu.vector_store %arg10[%swap3A_184], %swap3A_187 {strides = array<i32>} : memref<2048xf32, #tpu.memory_space<vmem>>, vector<16xf32>,
      %broadcast_in_dim3A_188 = arith.constant 0.000000e+00 : f32
      %broadcast_in_dim3A_189 = vector.broadcast %broadcast_in_dim3A_188 : f32 to vector<16xf32>
      %swap3A_190 = arith.constant 496 : index
      %swap3A_191 = tpu.vector_load %arg10[%swap3A_190] {strides = array<i32>} : memref<2048xf32, #tpu.memory_space<vmem>>, vector<16xf32>,
      %swap3A_192 = vector.shape_cast %swap3A_191 : vector<16xf32> to vector<16xf32>
      %swap3A_193 = vector.shape_cast %broadcast_in_dim3A_189 : vector<16xf32> to vector<16xf32>
      tpu.vector_store %arg10[%swap3A_190], %swap3A_193 {strides = array<i32>} : memref<2048xf32, #tpu.memory_space<vmem>>, vector<16xf32>,
      %broadcast_in_dim3A_194 = arith.constant 0.000000e+00 : f32
      %broadcast_in_dim3A_195 = vector.broadcast %broadcast_in_dim3A_194 : f32 to vector<16xf32>
      %swap3A_196 = arith.constant 512 : index
      %swap3A_197 = tpu.vector_load %arg10[%swap3A_196] {strides = array<i32>} : memref<2048xf32, #tpu.memory_space<vmem>>, vector<16xf32>,
      %swap3A_198 = vector.shape_cast %swap3A_197 : vector<16xf32> to vector<16xf32>
      %swap3A_199 = vector.shape_cast %broadcast_in_dim3A_195 : vector<16xf32> to vector<16xf32>
      tpu.vector_store %arg10[%swap3A_196], %swap3A_199 {strides = array<i32>} : memref<2048xf32, #tpu.memory_space<vmem>>, vector<16xf32>,
      %broadcast_in_dim3A_200 = arith.constant 0.000000e+00 : f32
      %broadcast_in_dim3A_201 = vector.broadcast %broadcast_in_dim3A_200 : f32 to vector<16xf32>
      %swap3A_202 = arith.constant 528 : index
      %swap3A_203 = tpu.vector_load %arg10[%swap3A_202] {strides = array<i32>} : memref<2048xf32, #tpu.memory_space<vmem>>, vector<16xf32>,
      %swap3A_204 = vector.shape_cast %swap3A_203 : vector<16xf32> to vector<16xf32>
      %swap3A_205 = vector.shape_cast %broadcast_in_dim3A_201 : vector<16xf32> to vector<16xf32>
      tpu.vector_store %arg10[%swap3A_202], %swap3A_205 {strides = array<i32>} : memref<2048xf32, #tpu.memory_space<vmem>>, vector<16xf32>,
      %broadcast_in_dim3A_206 = arith.constant 0.000000e+00 : f32
      %broadcast_in_dim3A_207 = vector.broadcast %broadcast_in_dim3A_206 : f32 to vector<16xf32>
      %swap3A_208 = arith.constant 544 : index
      %swap3A_209 = tpu.vector_load %arg10[%swap3A_208] {strides = array<i32>} : memref<2048xf32, #tpu.memory_space<vmem>>, vector<16xf32>,
      %swap3A_210 = vector.shape_cast %swap3A_209 : vector<16xf32> to vector<16xf32>
      %swap3A_211 = vector.shape_cast %broadcast_in_dim3A_207 : vector<16xf32> to vector<16xf32>
      tpu.vector_store %arg10[%swap3A_208], %swap3A_211 {strides = array<i32>} : memref<2048xf32, #tpu.memory_space<vmem>>, vector<16xf32>,
      %broadcast_in_dim3A_212 = arith.constant 0.000000e+00 : f32
      %broadcast_in_dim3A_213 = vector.broadcast %broadcast_in_dim3A_212 : f32 to vector<16xf32>
      %swap3A_214 = arith.constant 560 : index
      %swap3A_215 = tpu.vector_load %arg10[%swap3A_214] {strides = array<i32>} : memref<2048xf32, #tpu.memory_space<vmem>>, vector<16xf32>,
      %swap3A_216 = vector.shape_cast %swap3A_215 : vector<16xf32> to vector<16xf32>
      %swap3A_217 = vector.shape_cast %broadcast_in_dim3A_213 : vector<16xf32> to vector<16xf32>
      tpu.vector_store %arg10[%swap3A_214], %swap3A_217 {strides = array<i32>} : memref<2048xf32, #tpu.memory_space<vmem>>, vector<16xf32>,
      %broadcast_in_dim3A_218 = arith.constant 0.000000e+00 : f32
      %broadcast_in_dim3A_219 = vector.broadcast %broadcast_in_dim3A_218 : f32 to vector<16xf32>
      %swap3A_220 = arith.constant 576 : index
      %swap3A_221 = tpu.vector_load %arg10[%swap3A_220] {strides = array<i32>} : memref<2048xf32, #tpu.memory_space<vmem>>, vector<16xf32>,
      %swap3A_222 = vector.shape_cast %swap3A_221 : vector<16xf32> to vector<16xf32>
      %swap3A_223 = vector.shape_cast %broadcast_in_dim3A_219 : vector<16xf32> to vector<16xf32>
      tpu.vector_store %arg10[%swap3A_220], %swap3A_223 {strides = array<i32>} : memref<2048xf32, #tpu.memory_space<vmem>>, vector<16xf32>,
      %broadcast_in_dim3A_224 = arith.constant 0.000000e+00 : f32
      %broadcast_in_dim3A_225 = vector.broadcast %broadcast_in_dim3A_224 : f32 to vector<16xf32>
      %swap3A_226 = arith.constant 592 : index
      %swap3A_227 = tpu.vector_load %arg10[%swap3A_226] {strides = array<i32>} : memref<2048xf32, #tpu.memory_space<vmem>>, vector<16xf32>,
      %swap3A_228 = vector.shape_cast %swap3A_227 : vector<16xf32> to vector<16xf32>
      %swap3A_229 = vector.shape_cast %broadcast_in_dim3A_225 : vector<16xf32> to vector<16xf32>
      tpu.vector_store %arg10[%swap3A_226], %swap3A_229 {strides = array<i32>} : memref<2048xf32, #tpu.memory_space<vmem>>, vector<16xf32>,
      %broadcast_in_dim3A_230 = arith.constant 0.000000e+00 : f32
      %broadcast_in_dim3A_231 = vector.broadcast %broadcast_in_dim3A_230 : f32 to vector<16xf32>
      %swap3A_232 = arith.constant 608 : index
      %swap3A_233 = tpu.vector_load %arg10[%swap3A_232] {strides = array<i32>} : memref<2048xf32, #tpu.memory_space<vmem>>, vector<16xf32>,
      %swap3A_234 = vector.shape_cast %swap3A_233 : vector<16xf32> to vector<16xf32>
      %swap3A_235 = vector.shape_cast %broadcast_in_dim3A_231 : vector<16xf32> to vector<16xf32>
      tpu.vector_store %arg10[%swap3A_232], %swap3A_235 {strides = array<i32>} : memref<2048xf32, #tpu.memory_space<vmem>>, vector<16xf32>,
      %broadcast_in_dim3A_236 = arith.constant 0.000000e+00 : f32
      %broadcast_in_dim3A_237 = vector.broadcast %broadcast_in_dim3A_236 : f32 to vector<16xf32>
      %swap3A_238 = arith.constant 624 : index
      %swap3A_239 = tpu.vector_load %arg10[%swap3A_238] {strides = array<i32>} : memref<2048xf32, #tpu.memory_space<vmem>>, vector<16xf32>,
      %swap3A_240 = vector.shape_cast %swap3A_239 : vector<16xf32> to vector<16xf32>
      %swap3A_241 = vector.shape_cast %broadcast_in_dim3A_237 : vector<16xf32> to vector<16xf32>
      tpu.vector_store %arg10[%swap3A_238], %swap3A_241 {strides = array<i32>} : memref<2048xf32, #tpu.memory_space<vmem>>, vector<16xf32>,
      %broadcast_in_dim3A_242 = arith.constant 0.000000e+00 : f32
      %broadcast_in_dim3A_243 = vector.broadcast %broadcast_in_dim3A_242 : f32 to vector<16xf32>
      %swap3A_244 = arith.constant 640 : index
      %swap3A_245 = tpu.vector_load %arg10[%swap3A_244] {strides = array<i32>} : memref<2048xf32, #tpu.memory_space<vmem>>, vector<16xf32>,
      %swap3A_246 = vector.shape_cast %swap3A_245 : vector<16xf32> to vector<16xf32>
      %swap3A_247 = vector.shape_cast %broadcast_in_dim3A_243 : vector<16xf32> to vector<16xf32>
      tpu.vector_store %arg10[%swap3A_244], %swap3A_247 {strides = array<i32>} : memref<2048xf32, #tpu.memory_space<vmem>>, vector<16xf32>,
      %broadcast_in_dim3A_248 = arith.constant 0.000000e+00 : f32
      %broadcast_in_dim3A_249 = vector.broadcast %broadcast_in_dim3A_248 : f32 to vector<16xf32>
      %swap3A_250 = arith.constant 656 : index
      %swap3A_251 = tpu.vector_load %arg10[%swap3A_250] {strides = array<i32>} : memref<2048xf32, #tpu.memory_space<vmem>>, vector<16xf32>,
      %swap3A_252 = vector.shape_cast %swap3A_251 : vector<16xf32> to vector<16xf32>
      %swap3A_253 = vector.shape_cast %broadcast_in_dim3A_249 : vector<16xf32> to vector<16xf32>
      tpu.vector_store %arg10[%swap3A_250], %swap3A_253 {strides = array<i32>} : memref<2048xf32, #tpu.memory_space<vmem>>, vector<16xf32>,
      %broadcast_in_dim3A_254 = arith.constant 0.000000e+00 : f32
      %broadcast_in_dim3A_255 = vector.broadcast %broadcast_in_dim3A_254 : f32 to vector<16xf32>
      %swap3A_256 = arith.constant 672 : index
      %swap3A_257 = tpu.vector_load %arg10[%swap3A_256] {strides = array<i32>} : memref<2048xf32, #tpu.memory_space<vmem>>, vector<16xf32>,
      %swap3A_258 = vector.shape_cast %swap3A_257 : vector<16xf32> to vector<16xf32>
      %swap3A_259 = vector.shape_cast %broadcast_in_dim3A_255 : vector<16xf32> to vector<16xf32>
      tpu.vector_store %arg10[%swap3A_256], %swap3A_259 {strides = array<i32>} : memref<2048xf32, #tpu.memory_space<vmem>>, vector<16xf32>,
      %broadcast_in_dim3A_260 = arith.constant 0.000000e+00 : f32
      %broadcast_in_dim3A_261 = vector.broadcast %broadcast_in_dim3A_260 : f32 to vector<16xf32>
      %swap3A_262 = arith.constant 688 : index
      %swap3A_263 = tpu.vector_load %arg10[%swap3A_262] {strides = array<i32>} : memref<2048xf32, #tpu.memory_space<vmem>>, vector<16xf32>,
      %swap3A_264 = vector.shape_cast %swap3A_263 : vector<16xf32> to vector<16xf32>
      %swap3A_265 = vector.shape_cast %broadcast_in_dim3A_261 : vector<16xf32> to vector<16xf32>
      tpu.vector_store %arg10[%swap3A_262], %swap3A_265 {strides = array<i32>} : memref<2048xf32, #tpu.memory_space<vmem>>, vector<16xf32>,
      %broadcast_in_dim3A_266 = arith.constant 0.000000e+00 : f32
      %broadcast_in_dim3A_267 = vector.broadcast %broadcast_in_dim3A_266 : f32 to vector<16xf32>
      %swap3A_268 = arith.constant 704 : index
      %swap3A_269 = tpu.vector_load %arg10[%swap3A_268] {strides = array<i32>} : memref<2048xf32, #tpu.memory_space<vmem>>, vector<16xf32>,
      %swap3A_270 = vector.shape_cast %swap3A_269 : vector<16xf32> to vector<16xf32>
      %swap3A_271 = vector.shape_cast %broadcast_in_dim3A_267 : vector<16xf32> to vector<16xf32>
      tpu.vector_store %arg10[%swap3A_268], %swap3A_271 {strides = array<i32>} : memref<2048xf32, #tpu.memory_space<vmem>>, vector<16xf32>,
      %broadcast_in_dim3A_272 = arith.constant 0.000000e+00 : f32
      %broadcast_in_dim3A_273 = vector.broadcast %broadcast_in_dim3A_272 : f32 to vector<16xf32>
      %swap3A_274 = arith.constant 720 : index
      %swap3A_275 = tpu.vector_load %arg10[%swap3A_274] {strides = array<i32>} : memref<2048xf32, #tpu.memory_space<vmem>>, vector<16xf32>,
      %swap3A_276 = vector.shape_cast %swap3A_275 : vector<16xf32> to vector<16xf32>
      %swap3A_277 = vector.shape_cast %broadcast_in_dim3A_273 : vector<16xf32> to vector<16xf32>
      tpu.vector_store %arg10[%swap3A_274], %swap3A_277 {strides = array<i32>} : memref<2048xf32, #tpu.memory_space<vmem>>, vector<16xf32>,
      %broadcast_in_dim3A_278 = arith.constant 0.000000e+00 : f32
      %broadcast_in_dim3A_279 = vector.broadcast %broadcast_in_dim3A_278 : f32 to vector<16xf32>
      %swap3A_280 = arith.constant 736 : index
      %swap3A_281 = tpu.vector_load %arg10[%swap3A_280] {strides = array<i32>} : memref<2048xf32, #tpu.memory_space<vmem>>, vector<16xf32>,
      %swap3A_282 = vector.shape_cast %swap3A_281 : vector<16xf32> to vector<16xf32>
      %swap3A_283 = vector.shape_cast %broadcast_in_dim3A_279 : vector<16xf32> to vector<16xf32>
      tpu.vector_store %arg10[%swap3A_280], %swap3A_283 {strides = array<i32>} : memref<2048xf32, #tpu.memory_space<vmem>>, vector<16xf32>,
      %broadcast_in_dim3A_284 = arith.constant 0.000000e+00 : f32
      %broadcast_in_dim3A_285 = vector.broadcast %broadcast_in_dim3A_284 : f32 to vector<16xf32>
      %swap3A_286 = arith.constant 752 : index
      %swap3A_287 = tpu.vector_load %arg10[%swap3A_286] {strides = array<i32>} : memref<2048xf32, #tpu.memory_space<vmem>>, vector<16xf32>,
      %swap3A_288 = vector.shape_cast %swap3A_287 : vector<16xf32> to vector<16xf32>
      %swap3A_289 = vector.shape_cast %broadcast_in_dim3A_285 : vector<16xf32> to vector<16xf32>
      tpu.vector_store %arg10[%swap3A_286], %swap3A_289 {strides = array<i32>} : memref<2048xf32, #tpu.memory_space<vmem>>, vector<16xf32>,
      %broadcast_in_dim3A_290 = arith.constant 0.000000e+00 : f32
      %broadcast_in_dim3A_291 = vector.broadcast %broadcast_in_dim3A_290 : f32 to vector<16xf32>
      %swap3A_292 = arith.constant 768 : index
      %swap3A_293 = tpu.vector_load %arg10[%swap3A_292] {strides = array<i32>} : memref<2048xf32, #tpu.memory_space<vmem>>, vector<16xf32>,
      %swap3A_294 = vector.shape_cast %swap3A_293 : vector<16xf32> to vector<16xf32>
      %swap3A_295 = vector.shape_cast %broadcast_in_dim3A_291 : vector<16xf32> to vector<16xf32>
      tpu.vector_store %arg10[%swap3A_292], %swap3A_295 {strides = array<i32>} : memref<2048xf32, #tpu.memory_space<vmem>>, vector<16xf32>,
      %broadcast_in_dim3A_296 = arith.constant 0.000000e+00 : f32
      %broadcast_in_dim3A_297 = vector.broadcast %broadcast_in_dim3A_296 : f32 to vector<16xf32>
      %swap3A_298 = arith.constant 784 : index
      %swap3A_299 = tpu.vector_load %arg10[%swap3A_298] {strides = array<i32>} : memref<2048xf32, #tpu.memory_space<vmem>>, vector<16xf32>,
      %swap3A_300 = vector.shape_cast %swap3A_299 : vector<16xf32> to vector<16xf32>
      %swap3A_301 = vector.shape_cast %broadcast_in_dim3A_297 : vector<16xf32> to vector<16xf32>
      tpu.vector_store %arg10[%swap3A_298], %swap3A_301 {strides = array<i32>} : memref<2048xf32, #tpu.memory_space<vmem>>, vector<16xf32>,
      %broadcast_in_dim3A_302 = arith.constant 0.000000e+00 : f32
      %broadcast_in_dim3A_303 = vector.broadcast %broadcast_in_dim3A_302 : f32 to vector<16xf32>
      %swap3A_304 = arith.constant 800 : index
      %swap3A_305 = tpu.vector_load %arg10[%swap3A_304] {strides = array<i32>} : memref<2048xf32, #tpu.memory_space<vmem>>, vector<16xf32>,
      %swap3A_306 = vector.shape_cast %swap3A_305 : vector<16xf32> to vector<16xf32>
      %swap3A_307 = vector.shape_cast %broadcast_in_dim3A_303 : vector<16xf32> to vector<16xf32>
      tpu.vector_store %arg10[%swap3A_304], %swap3A_307 {strides = array<i32>} : memref<2048xf32, #tpu.memory_space<vmem>>, vector<16xf32>,
      %broadcast_in_dim3A_308 = arith.constant 0.000000e+00 : f32
      %broadcast_in_dim3A_309 = vector.broadcast %broadcast_in_dim3A_308 : f32 to vector<16xf32>
      %swap3A_310 = arith.constant 816 : index
      %swap3A_311 = tpu.vector_load %arg10[%swap3A_310] {strides = array<i32>} : memref<2048xf32, #tpu.memory_space<vmem>>, vector<16xf32>,
      %swap3A_312 = vector.shape_cast %swap3A_311 : vector<16xf32> to vector<16xf32>
      %swap3A_313 = vector.shape_cast %broadcast_in_dim3A_309 : vector<16xf32> to vector<16xf32>
      tpu.vector_store %arg10[%swap3A_310], %swap3A_313 {strides = array<i32>} : memref<2048xf32, #tpu.memory_space<vmem>>, vector<16xf32>,
      %broadcast_in_dim3A_314 = arith.constant 0.000000e+00 : f32
      %broadcast_in_dim3A_315 = vector.broadcast %broadcast_in_dim3A_314 : f32 to vector<16xf32>
      %swap3A_316 = arith.constant 832 : index
      %swap3A_317 = tpu.vector_load %arg10[%swap3A_316] {strides = array<i32>} : memref<2048xf32, #tpu.memory_space<vmem>>, vector<16xf32>,
      %swap3A_318 = vector.shape_cast %swap3A_317 : vector<16xf32> to vector<16xf32>
      %swap3A_319 = vector.shape_cast %broadcast_in_dim3A_315 : vector<16xf32> to vector<16xf32>
      tpu.vector_store %arg10[%swap3A_316], %swap3A_319 {strides = array<i32>} : memref<2048xf32, #tpu.memory_space<vmem>>, vector<16xf32>,
      %broadcast_in_dim3A_320 = arith.constant 0.000000e+00 : f32
      %broadcast_in_dim3A_321 = vector.broadcast %broadcast_in_dim3A_320 : f32 to vector<16xf32>
      %swap3A_322 = arith.constant 848 : index
      %swap3A_323 = tpu.vector_load %arg10[%swap3A_322] {strides = array<i32>} : memref<2048xf32, #tpu.memory_space<vmem>>, vector<16xf32>,
      %swap3A_324 = vector.shape_cast %swap3A_323 : vector<16xf32> to vector<16xf32>
      %swap3A_325 = vector.shape_cast %broadcast_in_dim3A_321 : vector<16xf32> to vector<16xf32>
      tpu.vector_store %arg10[%swap3A_322], %swap3A_325 {strides = array<i32>} : memref<2048xf32, #tpu.memory_space<vmem>>, vector<16xf32>,
      %broadcast_in_dim3A_326 = arith.constant 0.000000e+00 : f32
      %broadcast_in_dim3A_327 = vector.broadcast %broadcast_in_dim3A_326 : f32 to vector<16xf32>
      %swap3A_328 = arith.constant 864 : index
      %swap3A_329 = tpu.vector_load %arg10[%swap3A_328] {strides = array<i32>} : memref<2048xf32, #tpu.memory_space<vmem>>, vector<16xf32>,
      %swap3A_330 = vector.shape_cast %swap3A_329 : vector<16xf32> to vector<16xf32>
      %swap3A_331 = vector.shape_cast %broadcast_in_dim3A_327 : vector<16xf32> to vector<16xf32>
      tpu.vector_store %arg10[%swap3A_328], %swap3A_331 {strides = array<i32>} : memref<2048xf32, #tpu.memory_space<vmem>>, vector<16xf32>,
      %broadcast_in_dim3A_332 = arith.constant 0.000000e+00 : f32
      %broadcast_in_dim3A_333 = vector.broadcast %broadcast_in_dim3A_332 : f32 to vector<16xf32>
      %swap3A_334 = arith.constant 880 : index
      %swap3A_335 = tpu.vector_load %arg10[%swap3A_334] {strides = array<i32>} : memref<2048xf32, #tpu.memory_space<vmem>>, vector<16xf32>,
      %swap3A_336 = vector.shape_cast %swap3A_335 : vector<16xf32> to vector<16xf32>
      %swap3A_337 = vector.shape_cast %broadcast_in_dim3A_333 : vector<16xf32> to vector<16xf32>
      tpu.vector_store %arg10[%swap3A_334], %swap3A_337 {strides = array<i32>} : memref<2048xf32, #tpu.memory_space<vmem>>, vector<16xf32>,
      %broadcast_in_dim3A_338 = arith.constant 0.000000e+00 : f32
      %broadcast_in_dim3A_339 = vector.broadcast %broadcast_in_dim3A_338 : f32 to vector<16xf32>
      %swap3A_340 = arith.constant 896 : index
      %swap3A_341 = tpu.vector_load %arg10[%swap3A_340] {strides = array<i32>} : memref<2048xf32, #tpu.memory_space<vmem>>, vector<16xf32>,
      %swap3A_342 = vector.shape_cast %swap3A_341 : vector<16xf32> to vector<16xf32>
      %swap3A_343 = vector.shape_cast %broadcast_in_dim3A_339 : vector<16xf32> to vector<16xf32>
      tpu.vector_store %arg10[%swap3A_340], %swap3A_343 {strides = array<i32>} : memref<2048xf32, #tpu.memory_space<vmem>>, vector<16xf32>,
      %broadcast_in_dim3A_344 = arith.constant 0.000000e+00 : f32
      %broadcast_in_dim3A_345 = vector.broadcast %broadcast_in_dim3A_344 : f32 to vector<16xf32>
      %swap3A_346 = arith.constant 912 : index
      %swap3A_347 = tpu.vector_load %arg10[%swap3A_346] {strides = array<i32>} : memref<2048xf32, #tpu.memory_space<vmem>>, vector<16xf32>,
      %swap3A_348 = vector.shape_cast %swap3A_347 : vector<16xf32> to vector<16xf32>
      %swap3A_349 = vector.shape_cast %broadcast_in_dim3A_345 : vector<16xf32> to vector<16xf32>
      tpu.vector_store %arg10[%swap3A_346], %swap3A_349 {strides = array<i32>} : memref<2048xf32, #tpu.memory_space<vmem>>, vector<16xf32>,
      %broadcast_in_dim3A_350 = arith.constant 0.000000e+00 : f32
      %broadcast_in_dim3A_351 = vector.broadcast %broadcast_in_dim3A_350 : f32 to vector<16xf32>
      %swap3A_352 = arith.constant 928 : index
      %swap3A_353 = tpu.vector_load %arg10[%swap3A_352] {strides = array<i32>} : memref<2048xf32, #tpu.memory_space<vmem>>, vector<16xf32>,
      %swap3A_354 = vector.shape_cast %swap3A_353 : vector<16xf32> to vector<16xf32>
      %swap3A_355 = vector.shape_cast %broadcast_in_dim3A_351 : vector<16xf32> to vector<16xf32>
      tpu.vector_store %arg10[%swap3A_352], %swap3A_355 {strides = array<i32>} : memref<2048xf32, #tpu.memory_space<vmem>>, vector<16xf32>,
      %broadcast_in_dim3A_356 = arith.constant 0.000000e+00 : f32
      %broadcast_in_dim3A_357 = vector.broadcast %broadcast_in_dim3A_356 : f32 to vector<16xf32>
      %swap3A_358 = arith.constant 944 : index
      %swap3A_359 = tpu.vector_load %arg10[%swap3A_358] {strides = array<i32>} : memref<2048xf32, #tpu.memory_space<vmem>>, vector<16xf32>,
      %swap3A_360 = vector.shape_cast %swap3A_359 : vector<16xf32> to vector<16xf32>
      %swap3A_361 = vector.shape_cast %broadcast_in_dim3A_357 : vector<16xf32> to vector<16xf32>
      tpu.vector_store %arg10[%swap3A_358], %swap3A_361 {strides = array<i32>} : memref<2048xf32, #tpu.memory_space<vmem>>, vector<16xf32>,
      %broadcast_in_dim3A_362 = arith.constant 0.000000e+00 : f32
      %broadcast_in_dim3A_363 = vector.broadcast %broadcast_in_dim3A_362 : f32 to vector<16xf32>
      %swap3A_364 = arith.constant 960 : index
      %swap3A_365 = tpu.vector_load %arg10[%swap3A_364] {strides = array<i32>} : memref<2048xf32, #tpu.memory_space<vmem>>, vector<16xf32>,
      %swap3A_366 = vector.shape_cast %swap3A_365 : vector<16xf32> to vector<16xf32>
      %swap3A_367 = vector.shape_cast %broadcast_in_dim3A_363 : vector<16xf32> to vector<16xf32>
      tpu.vector_store %arg10[%swap3A_364], %swap3A_367 {strides = array<i32>} : memref<2048xf32, #tpu.memory_space<vmem>>, vector<16xf32>,
      %broadcast_in_dim3A_368 = arith.constant 0.000000e+00 : f32
      %broadcast_in_dim3A_369 = vector.broadcast %broadcast_in_dim3A_368 : f32 to vector<16xf32>
      %swap3A_370 = arith.constant 976 : index
      %swap3A_371 = tpu.vector_load %arg10[%swap3A_370] {strides = array<i32>} : memref<2048xf32, #tpu.memory_space<vmem>>, vector<16xf32>,
      %swap3A_372 = vector.shape_cast %swap3A_371 : vector<16xf32> to vector<16xf32>
      %swap3A_373 = vector.shape_cast %broadcast_in_dim3A_369 : vector<16xf32> to vector<16xf32>
      tpu.vector_store %arg10[%swap3A_370], %swap3A_373 {strides = array<i32>} : memref<2048xf32, #tpu.memory_space<vmem>>, vector<16xf32>,
      %broadcast_in_dim3A_374 = arith.constant 0.000000e+00 : f32
      %broadcast_in_dim3A_375 = vector.broadcast %broadcast_in_dim3A_374 : f32 to vector<16xf32>
      %swap3A_376 = arith.constant 992 : index
      %swap3A_377 = tpu.vector_load %arg10[%swap3A_376] {strides = array<i32>} : memref<2048xf32, #tpu.memory_space<vmem>>, vector<16xf32>,
      %swap3A_378 = vector.shape_cast %swap3A_377 : vector<16xf32> to vector<16xf32>
      %swap3A_379 = vector.shape_cast %broadcast_in_dim3A_375 : vector<16xf32> to vector<16xf32>
      tpu.vector_store %arg10[%swap3A_376], %swap3A_379 {strides = array<i32>} : memref<2048xf32, #tpu.memory_space<vmem>>, vector<16xf32>,
      %broadcast_in_dim3A_380 = arith.constant 0.000000e+00 : f32
      %broadcast_in_dim3A_381 = vector.broadcast %broadcast_in_dim3A_380 : f32 to vector<16xf32>
      %swap3A_382 = arith.constant 1008 : index
      %swap3A_383 = tpu.vector_load %arg10[%swap3A_382] {strides = array<i32>} : memref<2048xf32, #tpu.memory_space<vmem>>, vector<16xf32>,
      %swap3A_384 = vector.shape_cast %swap3A_383 : vector<16xf32> to vector<16xf32>
      %swap3A_385 = vector.shape_cast %broadcast_in_dim3A_381 : vector<16xf32> to vector<16xf32>
      tpu.vector_store %arg10[%swap3A_382], %swap3A_385 {strides = array<i32>} : memref<2048xf32, #tpu.memory_space<vmem>>, vector<16xf32>,
      %broadcast_in_dim3A_386 = arith.constant 0.000000e+00 : f32
      %broadcast_in_dim3A_387 = vector.broadcast %broadcast_in_dim3A_386 : f32 to vector<16xf32>
      %swap3A_388 = arith.constant 1024 : index
      %swap3A_389 = tpu.vector_load %arg10[%swap3A_388] {strides = array<i32>} : memref<2048xf32, #tpu.memory_space<vmem>>, vector<16xf32>,
      %swap3A_390 = vector.shape_cast %swap3A_389 : vector<16xf32> to vector<16xf32>
      %swap3A_391 = vector.shape_cast %broadcast_in_dim3A_387 : vector<16xf32> to vector<16xf32>
      tpu.vector_store %arg10[%swap3A_388], %swap3A_391 {strides = array<i32>} : memref<2048xf32, #tpu.memory_space<vmem>>, vector<16xf32>,
      %broadcast_in_dim3A_392 = arith.constant 0.000000e+00 : f32
      %broadcast_in_dim3A_393 = vector.broadcast %broadcast_in_dim3A_392 : f32 to vector<16xf32>
      %swap3A_394 = arith.constant 1040 : index
      %swap3A_395 = tpu.vector_load %arg10[%swap3A_394] {strides = array<i32>} : memref<2048xf32, #tpu.memory_space<vmem>>, vector<16xf32>,
      %swap3A_396 = vector.shape_cast %swap3A_395 : vector<16xf32> to vector<16xf32>
      %swap3A_397 = vector.shape_cast %broadcast_in_dim3A_393 : vector<16xf32> to vector<16xf32>
      tpu.vector_store %arg10[%swap3A_394], %swap3A_397 {strides = array<i32>} : memref<2048xf32, #tpu.memory_space<vmem>>, vector<16xf32>,
      %broadcast_in_dim3A_398 = arith.constant 0.000000e+00 : f32
      %broadcast_in_dim3A_399 = vector.broadcast %broadcast_in_dim3A_398 : f32 to vector<16xf32>
      %swap3A_400 = arith.constant 1056 : index
      %swap3A_401 = tpu.vector_load %arg10[%swap3A_400] {strides = array<i32>} : memref<2048xf32, #tpu.memory_space<vmem>>, vector<16xf32>,
      %swap3A_402 = vector.shape_cast %swap3A_401 : vector<16xf32> to vector<16xf32>
      %swap3A_403 = vector.shape_cast %broadcast_in_dim3A_399 : vector<16xf32> to vector<16xf32>
      tpu.vector_store %arg10[%swap3A_400], %swap3A_403 {strides = array<i32>} : memref<2048xf32, #tpu.memory_space<vmem>>, vector<16xf32>,
      %broadcast_in_dim3A_404 = arith.constant 0.000000e+00 : f32
      %broadcast_in_dim3A_405 = vector.broadcast %broadcast_in_dim3A_404 : f32 to vector<16xf32>
      %swap3A_406 = arith.constant 1072 : index
      %swap3A_407 = tpu.vector_load %arg10[%swap3A_406] {strides = array<i32>} : memref<2048xf32, #tpu.memory_space<vmem>>, vector<16xf32>,
      %swap3A_408 = vector.shape_cast %swap3A_407 : vector<16xf32> to vector<16xf32>
      %swap3A_409 = vector.shape_cast %broadcast_in_dim3A_405 : vector<16xf32> to vector<16xf32>
      tpu.vector_store %arg10[%swap3A_406], %swap3A_409 {strides = array<i32>} : memref<2048xf32, #tpu.memory_space<vmem>>, vector<16xf32>,
      %broadcast_in_dim3A_410 = arith.constant 0.000000e+00 : f32
      %broadcast_in_dim3A_411 = vector.broadcast %broadcast_in_dim3A_410 : f32 to vector<16xf32>
      %swap3A_412 = arith.constant 1088 : index
      %swap3A_413 = tpu.vector_load %arg10[%swap3A_412] {strides = array<i32>} : memref<2048xf32, #tpu.memory_space<vmem>>, vector<16xf32>,
      %swap3A_414 = vector.shape_cast %swap3A_413 : vector<16xf32> to vector<16xf32>
      %swap3A_415 = vector.shape_cast %broadcast_in_dim3A_411 : vector<16xf32> to vector<16xf32>
      tpu.vector_store %arg10[%swap3A_412], %swap3A_415 {strides = array<i32>} : memref<2048xf32, #tpu.memory_space<vmem>>, vector<16xf32>,
      %broadcast_in_dim3A_416 = arith.constant 0.000000e+00 : f32
      %broadcast_in_dim3A_417 = vector.broadcast %broadcast_in_dim3A_416 : f32 to vector<16xf32>
      %swap3A_418 = arith.constant 1104 : index
      %swap3A_419 = tpu.vector_load %arg10[%swap3A_418] {strides = array<i32>} : memref<2048xf32, #tpu.memory_space<vmem>>, vector<16xf32>,
      %swap3A_420 = vector.shape_cast %swap3A_419 : vector<16xf32> to vector<16xf32>
      %swap3A_421 = vector.shape_cast %broadcast_in_dim3A_417 : vector<16xf32> to vector<16xf32>
      tpu.vector_store %arg10[%swap3A_418], %swap3A_421 {strides = array<i32>} : memref<2048xf32, #tpu.memory_space<vmem>>, vector<16xf32>,
      %broadcast_in_dim3A_422 = arith.constant 0.000000e+00 : f32
      %broadcast_in_dim3A_423 = vector.broadcast %broadcast_in_dim3A_422 : f32 to vector<16xf32>
      %swap3A_424 = arith.constant 1120 : index
      %swap3A_425 = tpu.vector_load %arg10[%swap3A_424] {strides = array<i32>} : memref<2048xf32, #tpu.memory_space<vmem>>, vector<16xf32>,
      %swap3A_426 = vector.shape_cast %swap3A_425 : vector<16xf32> to vector<16xf32>
      %swap3A_427 = vector.shape_cast %broadcast_in_dim3A_423 : vector<16xf32> to vector<16xf32>
      tpu.vector_store %arg10[%swap3A_424], %swap3A_427 {strides = array<i32>} : memref<2048xf32, #tpu.memory_space<vmem>>, vector<16xf32>,
      %broadcast_in_dim3A_428 = arith.constant 0.000000e+00 : f32
      %broadcast_in_dim3A_429 = vector.broadcast %broadcast_in_dim3A_428 : f32 to vector<16xf32>
      %swap3A_430 = arith.constant 1136 : index
      %swap3A_431 = tpu.vector_load %arg10[%swap3A_430] {strides = array<i32>} : memref<2048xf32, #tpu.memory_space<vmem>>, vector<16xf32>,
      %swap3A_432 = vector.shape_cast %swap3A_431 : vector<16xf32> to vector<16xf32>
      %swap3A_433 = vector.shape_cast %broadcast_in_dim3A_429 : vector<16xf32> to vector<16xf32>
      tpu.vector_store %arg10[%swap3A_430], %swap3A_433 {strides = array<i32>} : memref<2048xf32, #tpu.memory_space<vmem>>, vector<16xf32>,
      %broadcast_in_dim3A_434 = arith.constant 0.000000e+00 : f32
      %broadcast_in_dim3A_435 = vector.broadcast %broadcast_in_dim3A_434 : f32 to vector<16xf32>
      %swap3A_436 = arith.constant 1152 : index
      %swap3A_437 = tpu.vector_load %arg10[%swap3A_436] {strides = array<i32>} : memref<2048xf32, #tpu.memory_space<vmem>>, vector<16xf32>,
      %swap3A_438 = vector.shape_cast %swap3A_437 : vector<16xf32> to vector<16xf32>
      %swap3A_439 = vector.shape_cast %broadcast_in_dim3A_435 : vector<16xf32> to vector<16xf32>
      tpu.vector_store %arg10[%swap3A_436], %swap3A_439 {strides = array<i32>} : memref<2048xf32, #tpu.memory_space<vmem>>, vector<16xf32>,
      %broadcast_in_dim3A_440 = arith.constant 0.000000e+00 : f32
      %broadcast_in_dim3A_441 = vector.broadcast %broadcast_in_dim3A_440 : f32 to vector<16xf32>
      %swap3A_442 = arith.constant 1168 : index
      %swap3A_443 = tpu.vector_load %arg10[%swap3A_442] {strides = array<i32>} : memref<2048xf32, #tpu.memory_space<vmem>>, vector<16xf32>,
      %swap3A_444 = vector.shape_cast %swap3A_443 : vector<16xf32> to vector<16xf32>
      %swap3A_445 = vector.shape_cast %broadcast_in_dim3A_441 : vector<16xf32> to vector<16xf32>
      tpu.vector_store %arg10[%swap3A_442], %swap3A_445 {strides = array<i32>} : memref<2048xf32, #tpu.memory_space<vmem>>, vector<16xf32>,
      %broadcast_in_dim3A_446 = arith.constant 0.000000e+00 : f32
      %broadcast_in_dim3A_447 = vector.broadcast %broadcast_in_dim3A_446 : f32 to vector<16xf32>
      %swap3A_448 = arith.constant 1184 : index
      %swap3A_449 = tpu.vector_load %arg10[%swap3A_448] {strides = array<i32>} : memref<2048xf32, #tpu.memory_space<vmem>>, vector<16xf32>,
      %swap3A_450 = vector.shape_cast %swap3A_449 : vector<16xf32> to vector<16xf32>
      %swap3A_451 = vector.shape_cast %broadcast_in_dim3A_447 : vector<16xf32> to vector<16xf32>
      tpu.vector_store %arg10[%swap3A_448], %swap3A_451 {strides = array<i32>} : memref<2048xf32, #tpu.memory_space<vmem>>, vector<16xf32>,
      %broadcast_in_dim3A_452 = arith.constant 0.000000e+00 : f32
      %broadcast_in_dim3A_453 = vector.broadcast %broadcast_in_dim3A_452 : f32 to vector<16xf32>
      %swap3A_454 = arith.constant 1200 : index
      %swap3A_455 = tpu.vector_load %arg10[%swap3A_454] {strides = array<i32>} : memref<2048xf32, #tpu.memory_space<vmem>>, vector<16xf32>,
      %swap3A_456 = vector.shape_cast %swap3A_455 : vector<16xf32> to vector<16xf32>
      %swap3A_457 = vector.shape_cast %broadcast_in_dim3A_453 : vector<16xf32> to vector<16xf32>
      tpu.vector_store %arg10[%swap3A_454], %swap3A_457 {strides = array<i32>} : memref<2048xf32, #tpu.memory_space<vmem>>, vector<16xf32>,
      %broadcast_in_dim3A_458 = arith.constant 0.000000e+00 : f32
      %broadcast_in_dim3A_459 = vector.broadcast %broadcast_in_dim3A_458 : f32 to vector<16xf32>
      %swap3A_460 = arith.constant 1216 : index
      %swap3A_461 = tpu.vector_load %arg10[%swap3A_460] {strides = array<i32>} : memref<2048xf32, #tpu.memory_space<vmem>>, vector<16xf32>,
      %swap3A_462 = vector.shape_cast %swap3A_461 : vector<16xf32> to vector<16xf32>
      %swap3A_463 = vector.shape_cast %broadcast_in_dim3A_459 : vector<16xf32> to vector<16xf32>
      tpu.vector_store %arg10[%swap3A_460], %swap3A_463 {strides = array<i32>} : memref<2048xf32, #tpu.memory_space<vmem>>, vector<16xf32>,
      %broadcast_in_dim3A_464 = arith.constant 0.000000e+00 : f32
      %broadcast_in_dim3A_465 = vector.broadcast %broadcast_in_dim3A_464 : f32 to vector<16xf32>
      %swap3A_466 = arith.constant 1232 : index
      %swap3A_467 = tpu.vector_load %arg10[%swap3A_466] {strides = array<i32>} : memref<2048xf32, #tpu.memory_space<vmem>>, vector<16xf32>,
      %swap3A_468 = vector.shape_cast %swap3A_467 : vector<16xf32> to vector<16xf32>
      %swap3A_469 = vector.shape_cast %broadcast_in_dim3A_465 : vector<16xf32> to vector<16xf32>
      tpu.vector_store %arg10[%swap3A_466], %swap3A_469 {strides = array<i32>} : memref<2048xf32, #tpu.memory_space<vmem>>, vector<16xf32>,
      %broadcast_in_dim3A_470 = arith.constant 0.000000e+00 : f32
      %broadcast_in_dim3A_471 = vector.broadcast %broadcast_in_dim3A_470 : f32 to vector<16xf32>
      %swap3A_472 = arith.constant 1248 : index
      %swap3A_473 = tpu.vector_load %arg10[%swap3A_472] {strides = array<i32>} : memref<2048xf32, #tpu.memory_space<vmem>>, vector<16xf32>,
      %swap3A_474 = vector.shape_cast %swap3A_473 : vector<16xf32> to vector<16xf32>
      %swap3A_475 = vector.shape_cast %broadcast_in_dim3A_471 : vector<16xf32> to vector<16xf32>
      tpu.vector_store %arg10[%swap3A_472], %swap3A_475 {strides = array<i32>} : memref<2048xf32, #tpu.memory_space<vmem>>, vector<16xf32>,
      %broadcast_in_dim3A_476 = arith.constant 0.000000e+00 : f32
      %broadcast_in_dim3A_477 = vector.broadcast %broadcast_in_dim3A_476 : f32 to vector<16xf32>
      %swap3A_478 = arith.constant 1264 : index
      %swap3A_479 = tpu.vector_load %arg10[%swap3A_478] {strides = array<i32>} : memref<2048xf32, #tpu.memory_space<vmem>>, vector<16xf32>,
      %swap3A_480 = vector.shape_cast %swap3A_479 : vector<16xf32> to vector<16xf32>
      %swap3A_481 = vector.shape_cast %broadcast_in_dim3A_477 : vector<16xf32> to vector<16xf32>
      tpu.vector_store %arg10[%swap3A_478], %swap3A_481 {strides = array<i32>} : memref<2048xf32, #tpu.memory_space<vmem>>, vector<16xf32>,
      %broadcast_in_dim3A_482 = arith.constant 0.000000e+00 : f32
      %broadcast_in_dim3A_483 = vector.broadcast %broadcast_in_dim3A_482 : f32 to vector<16xf32>
      %swap3A_484 = arith.constant 1280 : index
      %swap3A_485 = tpu.vector_load %arg10[%swap3A_484] {strides = array<i32>} : memref<2048xf32, #tpu.memory_space<vmem>>, vector<16xf32>,
      %swap3A_486 = vector.shape_cast %swap3A_485 : vector<16xf32> to vector<16xf32>
      %swap3A_487 = vector.shape_cast %broadcast_in_dim3A_483 : vector<16xf32> to vector<16xf32>
      tpu.vector_store %arg10[%swap3A_484], %swap3A_487 {strides = array<i32>} : memref<2048xf32, #tpu.memory_space<vmem>>, vector<16xf32>,
      %broadcast_in_dim3A_488 = arith.constant 0.000000e+00 : f32
      %broadcast_in_dim3A_489 = vector.broadcast %broadcast_in_dim3A_488 : f32 to vector<16xf32>
      %swap3A_490 = arith.constant 1296 : index
      %swap3A_491 = tpu.vector_load %arg10[%swap3A_490] {strides = array<i32>} : memref<2048xf32, #tpu.memory_space<vmem>>, vector<16xf32>,
      %swap3A_492 = vector.shape_cast %swap3A_491 : vector<16xf32> to vector<16xf32>
      %swap3A_493 = vector.shape_cast %broadcast_in_dim3A_489 : vector<16xf32> to vector<16xf32>
      tpu.vector_store %arg10[%swap3A_490], %swap3A_493 {strides = array<i32>} : memref<2048xf32, #tpu.memory_space<vmem>>, vector<16xf32>,
      %broadcast_in_dim3A_494 = arith.constant 0.000000e+00 : f32
      %broadcast_in_dim3A_495 = vector.broadcast %broadcast_in_dim3A_494 : f32 to vector<16xf32>
      %swap3A_496 = arith.constant 1312 : index
      %swap3A_497 = tpu.vector_load %arg10[%swap3A_496] {strides = array<i32>} : memref<2048xf32, #tpu.memory_space<vmem>>, vector<16xf32>,
      %swap3A_498 = vector.shape_cast %swap3A_497 : vector<16xf32> to vector<16xf32>
      %swap3A_499 = vector.shape_cast %broadcast_in_dim3A_495 : vector<16xf32> to vector<16xf32>
      tpu.vector_store %arg10[%swap3A_496], %swap3A_499 {strides = array<i32>} : memref<2048xf32, #tpu.memory_space<vmem>>, vector<16xf32>,
      %broadcast_in_dim3A_500 = arith.constant 0.000000e+00 : f32
      %broadcast_in_dim3A_501 = vector.broadcast %broadcast_in_dim3A_500 : f32 to vector<16xf32>
      %swap3A_502 = arith.constant 1328 : index
      %swap3A_503 = tpu.vector_load %arg10[%swap3A_502] {strides = array<i32>} : memref<2048xf32, #tpu.memory_space<vmem>>, vector<16xf32>,
      %swap3A_504 = vector.shape_cast %swap3A_503 : vector<16xf32> to vector<16xf32>
      %swap3A_505 = vector.shape_cast %broadcast_in_dim3A_501 : vector<16xf32> to vector<16xf32>
      tpu.vector_store %arg10[%swap3A_502], %swap3A_505 {strides = array<i32>} : memref<2048xf32, #tpu.memory_space<vmem>>, vector<16xf32>,
      %broadcast_in_dim3A_506 = arith.constant 0.000000e+00 : f32
      %broadcast_in_dim3A_507 = vector.broadcast %broadcast_in_dim3A_506 : f32 to vector<16xf32>
      %swap3A_508 = arith.constant 1344 : index
      %swap3A_509 = tpu.vector_load %arg10[%swap3A_508] {strides = array<i32>} : memref<2048xf32, #tpu.memory_space<vmem>>, vector<16xf32>,
      %swap3A_510 = vector.shape_cast %swap3A_509 : vector<16xf32> to vector<16xf32>
      %swap3A_511 = vector.shape_cast %broadcast_in_dim3A_507 : vector<16xf32> to vector<16xf32>
      tpu.vector_store %arg10[%swap3A_508], %swap3A_511 {strides = array<i32>} : memref<2048xf32, #tpu.memory_space<vmem>>, vector<16xf32>,
      %broadcast_in_dim3A_512 = arith.constant 0.000000e+00 : f32
      %broadcast_in_dim3A_513 = vector.broadcast %broadcast_in_dim3A_512 : f32 to vector<16xf32>
      %swap3A_514 = arith.constant 1360 : index
      %swap3A_515 = tpu.vector_load %arg10[%swap3A_514] {strides = array<i32>} : memref<2048xf32, #tpu.memory_space<vmem>>, vector<16xf32>,
      %swap3A_516 = vector.shape_cast %swap3A_515 : vector<16xf32> to vector<16xf32>
      %swap3A_517 = vector.shape_cast %broadcast_in_dim3A_513 : vector<16xf32> to vector<16xf32>
      tpu.vector_store %arg10[%swap3A_514], %swap3A_517 {strides = array<i32>} : memref<2048xf32, #tpu.memory_space<vmem>>, vector<16xf32>,
      %broadcast_in_dim3A_518 = arith.constant 0.000000e+00 : f32
      %broadcast_in_dim3A_519 = vector.broadcast %broadcast_in_dim3A_518 : f32 to vector<16xf32>
      %swap3A_520 = arith.constant 1376 : index
      %swap3A_521 = tpu.vector_load %arg10[%swap3A_520] {strides = array<i32>} : memref<2048xf32, #tpu.memory_space<vmem>>, vector<16xf32>,
      %swap3A_522 = vector.shape_cast %swap3A_521 : vector<16xf32> to vector<16xf32>
      %swap3A_523 = vector.shape_cast %broadcast_in_dim3A_519 : vector<16xf32> to vector<16xf32>
      tpu.vector_store %arg10[%swap3A_520], %swap3A_523 {strides = array<i32>} : memref<2048xf32, #tpu.memory_space<vmem>>, vector<16xf32>,
      %broadcast_in_dim3A_524 = arith.constant 0.000000e+00 : f32
      %broadcast_in_dim3A_525 = vector.broadcast %broadcast_in_dim3A_524 : f32 to vector<16xf32>
      %swap3A_526 = arith.constant 1392 : index
      %swap3A_527 = tpu.vector_load %arg10[%swap3A_526] {strides = array<i32>} : memref<2048xf32, #tpu.memory_space<vmem>>, vector<16xf32>,
      %swap3A_528 = vector.shape_cast %swap3A_527 : vector<16xf32> to vector<16xf32>
      %swap3A_529 = vector.shape_cast %broadcast_in_dim3A_525 : vector<16xf32> to vector<16xf32>
      tpu.vector_store %arg10[%swap3A_526], %swap3A_529 {strides = array<i32>} : memref<2048xf32, #tpu.memory_space<vmem>>, vector<16xf32>,
      %broadcast_in_dim3A_530 = arith.constant 0.000000e+00 : f32
      %broadcast_in_dim3A_531 = vector.broadcast %broadcast_in_dim3A_530 : f32 to vector<16xf32>
      %swap3A_532 = arith.constant 1408 : index
      %swap3A_533 = tpu.vector_load %arg10[%swap3A_532] {strides = array<i32>} : memref<2048xf32, #tpu.memory_space<vmem>>, vector<16xf32>,
      %swap3A_534 = vector.shape_cast %swap3A_533 : vector<16xf32> to vector<16xf32>
      %swap3A_535 = vector.shape_cast %broadcast_in_dim3A_531 : vector<16xf32> to vector<16xf32>
      tpu.vector_store %arg10[%swap3A_532], %swap3A_535 {strides = array<i32>} : memref<2048xf32, #tpu.memory_space<vmem>>, vector<16xf32>,
      %broadcast_in_dim3A_536 = arith.constant 0.000000e+00 : f32
      %broadcast_in_dim3A_537 = vector.broadcast %broadcast_in_dim3A_536 : f32 to vector<16xf32>
      %swap3A_538 = arith.constant 1424 : index
      %swap3A_539 = tpu.vector_load %arg10[%swap3A_538] {strides = array<i32>} : memref<2048xf32, #tpu.memory_space<vmem>>, vector<16xf32>,
      %swap3A_540 = vector.shape_cast %swap3A_539 : vector<16xf32> to vector<16xf32>
      %swap3A_541 = vector.shape_cast %broadcast_in_dim3A_537 : vector<16xf32> to vector<16xf32>
      tpu.vector_store %arg10[%swap3A_538], %swap3A_541 {strides = array<i32>} : memref<2048xf32, #tpu.memory_space<vmem>>, vector<16xf32>,
      %broadcast_in_dim3A_542 = arith.constant 0.000000e+00 : f32
      %broadcast_in_dim3A_543 = vector.broadcast %broadcast_in_dim3A_542 : f32 to vector<16xf32>
      %swap3A_544 = arith.constant 1440 : index
      %swap3A_545 = tpu.vector_load %arg10[%swap3A_544] {strides = array<i32>} : memref<2048xf32, #tpu.memory_space<vmem>>, vector<16xf32>,
      %swap3A_546 = vector.shape_cast %swap3A_545 : vector<16xf32> to vector<16xf32>
      %swap3A_547 = vector.shape_cast %broadcast_in_dim3A_543 : vector<16xf32> to vector<16xf32>
      tpu.vector_store %arg10[%swap3A_544], %swap3A_547 {strides = array<i32>} : memref<2048xf32, #tpu.memory_space<vmem>>, vector<16xf32>,
      %broadcast_in_dim3A_548 = arith.constant 0.000000e+00 : f32
      %broadcast_in_dim3A_549 = vector.broadcast %broadcast_in_dim3A_548 : f32 to vector<16xf32>
      %swap3A_550 = arith.constant 1456 : index
      %swap3A_551 = tpu.vector_load %arg10[%swap3A_550] {strides = array<i32>} : memref<2048xf32, #tpu.memory_space<vmem>>, vector<16xf32>,
      %swap3A_552 = vector.shape_cast %swap3A_551 : vector<16xf32> to vector<16xf32>
      %swap3A_553 = vector.shape_cast %broadcast_in_dim3A_549 : vector<16xf32> to vector<16xf32>
      tpu.vector_store %arg10[%swap3A_550], %swap3A_553 {strides = array<i32>} : memref<2048xf32, #tpu.memory_space<vmem>>, vector<16xf32>,
      %broadcast_in_dim3A_554 = arith.constant 0.000000e+00 : f32
      %broadcast_in_dim3A_555 = vector.broadcast %broadcast_in_dim3A_554 : f32 to vector<16xf32>
      %swap3A_556 = arith.constant 1472 : index
      %swap3A_557 = tpu.vector_load %arg10[%swap3A_556] {strides = array<i32>} : memref<2048xf32, #tpu.memory_space<vmem>>, vector<16xf32>,
      %swap3A_558 = vector.shape_cast %swap3A_557 : vector<16xf32> to vector<16xf32>
      %swap3A_559 = vector.shape_cast %broadcast_in_dim3A_555 : vector<16xf32> to vector<16xf32>
      tpu.vector_store %arg10[%swap3A_556], %swap3A_559 {strides = array<i32>} : memref<2048xf32, #tpu.memory_space<vmem>>, vector<16xf32>,
      %broadcast_in_dim3A_560 = arith.constant 0.000000e+00 : f32
      %broadcast_in_dim3A_561 = vector.broadcast %broadcast_in_dim3A_560 : f32 to vector<16xf32>
      %swap3A_562 = arith.constant 1488 : index
      %swap3A_563 = tpu.vector_load %arg10[%swap3A_562] {strides = array<i32>} : memref<2048xf32, #tpu.memory_space<vmem>>, vector<16xf32>,
      %swap3A_564 = vector.shape_cast %swap3A_563 : vector<16xf32> to vector<16xf32>
      %swap3A_565 = vector.shape_cast %broadcast_in_dim3A_561 : vector<16xf32> to vector<16xf32>
      tpu.vector_store %arg10[%swap3A_562], %swap3A_565 {strides = array<i32>} : memref<2048xf32, #tpu.memory_space<vmem>>, vector<16xf32>,
      %broadcast_in_dim3A_566 = arith.constant 0.000000e+00 : f32
      %broadcast_in_dim3A_567 = vector.broadcast %broadcast_in_dim3A_566 : f32 to vector<16xf32>
      %swap3A_568 = arith.constant 1504 : index
      %swap3A_569 = tpu.vector_load %arg10[%swap3A_568] {strides = array<i32>} : memref<2048xf32, #tpu.memory_space<vmem>>, vector<16xf32>,
      %swap3A_570 = vector.shape_cast %swap3A_569 : vector<16xf32> to vector<16xf32>
      %swap3A_571 = vector.shape_cast %broadcast_in_dim3A_567 : vector<16xf32> to vector<16xf32>
      tpu.vector_store %arg10[%swap3A_568], %swap3A_571 {strides = array<i32>} : memref<2048xf32, #tpu.memory_space<vmem>>, vector<16xf32>,
      %broadcast_in_dim3A_572 = arith.constant 0.000000e+00 : f32
      %broadcast_in_dim3A_573 = vector.broadcast %broadcast_in_dim3A_572 : f32 to vector<16xf32>
      %swap3A_574 = arith.constant 1520 : index
      %swap3A_575 = tpu.vector_load %arg10[%swap3A_574] {strides = array<i32>} : memref<2048xf32, #tpu.memory_space<vmem>>, vector<16xf32>,
      %swap3A_576 = vector.shape_cast %swap3A_575 : vector<16xf32> to vector<16xf32>
      %swap3A_577 = vector.shape_cast %broadcast_in_dim3A_573 : vector<16xf32> to vector<16xf32>
      tpu.vector_store %arg10[%swap3A_574], %swap3A_577 {strides = array<i32>} : memref<2048xf32, #tpu.memory_space<vmem>>, vector<16xf32>,
      %broadcast_in_dim3A_578 = arith.constant 0.000000e+00 : f32
      %broadcast_in_dim3A_579 = vector.broadcast %broadcast_in_dim3A_578 : f32 to vector<16xf32>
      %swap3A_580 = arith.constant 1536 : index
      %swap3A_581 = tpu.vector_load %arg10[%swap3A_580] {strides = array<i32>} : memref<2048xf32, #tpu.memory_space<vmem>>, vector<16xf32>,
      %swap3A_582 = vector.shape_cast %swap3A_581 : vector<16xf32> to vector<16xf32>
      %swap3A_583 = vector.shape_cast %broadcast_in_dim3A_579 : vector<16xf32> to vector<16xf32>
      tpu.vector_store %arg10[%swap3A_580], %swap3A_583 {strides = array<i32>} : memref<2048xf32, #tpu.memory_space<vmem>>, vector<16xf32>,
      %broadcast_in_dim3A_584 = arith.constant 0.000000e+00 : f32
      %broadcast_in_dim3A_585 = vector.broadcast %broadcast_in_dim3A_584 : f32 to vector<16xf32>
      %swap3A_586 = arith.constant 1552 : index
      %swap3A_587 = tpu.vector_load %arg10[%swap3A_586] {strides = array<i32>} : memref<2048xf32, #tpu.memory_space<vmem>>, vector<16xf32>,
      %swap3A_588 = vector.shape_cast %swap3A_587 : vector<16xf32> to vector<16xf32>
      %swap3A_589 = vector.shape_cast %broadcast_in_dim3A_585 : vector<16xf32> to vector<16xf32>
      tpu.vector_store %arg10[%swap3A_586], %swap3A_589 {strides = array<i32>} : memref<2048xf32, #tpu.memory_space<vmem>>, vector<16xf32>,
      %broadcast_in_dim3A_590 = arith.constant 0.000000e+00 : f32
      %broadcast_in_dim3A_591 = vector.broadcast %broadcast_in_dim3A_590 : f32 to vector<16xf32>
      %swap3A_592 = arith.constant 1568 : index
      %swap3A_593 = tpu.vector_load %arg10[%swap3A_592] {strides = array<i32>} : memref<2048xf32, #tpu.memory_space<vmem>>, vector<16xf32>,
      %swap3A_594 = vector.shape_cast %swap3A_593 : vector<16xf32> to vector<16xf32>
      %swap3A_595 = vector.shape_cast %broadcast_in_dim3A_591 : vector<16xf32> to vector<16xf32>
      tpu.vector_store %arg10[%swap3A_592], %swap3A_595 {strides = array<i32>} : memref<2048xf32, #tpu.memory_space<vmem>>, vector<16xf32>,
      %broadcast_in_dim3A_596 = arith.constant 0.000000e+00 : f32
      %broadcast_in_dim3A_597 = vector.broadcast %broadcast_in_dim3A_596 : f32 to vector<16xf32>
      %swap3A_598 = arith.constant 1584 : index
      %swap3A_599 = tpu.vector_load %arg10[%swap3A_598] {strides = array<i32>} : memref<2048xf32, #tpu.memory_space<vmem>>, vector<16xf32>,
      %swap3A_600 = vector.shape_cast %swap3A_599 : vector<16xf32> to vector<16xf32>
      %swap3A_601 = vector.shape_cast %broadcast_in_dim3A_597 : vector<16xf32> to vector<16xf32>
      tpu.vector_store %arg10[%swap3A_598], %swap3A_601 {strides = array<i32>} : memref<2048xf32, #tpu.memory_space<vmem>>, vector<16xf32>,
      %broadcast_in_dim3A_602 = arith.constant 0.000000e+00 : f32
      %broadcast_in_dim3A_603 = vector.broadcast %broadcast_in_dim3A_602 : f32 to vector<16xf32>
      %swap3A_604 = arith.constant 1600 : index
      %swap3A_605 = tpu.vector_load %arg10[%swap3A_604] {strides = array<i32>} : memref<2048xf32, #tpu.memory_space<vmem>>, vector<16xf32>,
      %swap3A_606 = vector.shape_cast %swap3A_605 : vector<16xf32> to vector<16xf32>
      %swap3A_607 = vector.shape_cast %broadcast_in_dim3A_603 : vector<16xf32> to vector<16xf32>
      tpu.vector_store %arg10[%swap3A_604], %swap3A_607 {strides = array<i32>} : memref<2048xf32, #tpu.memory_space<vmem>>, vector<16xf32>,
      %broadcast_in_dim3A_608 = arith.constant 0.000000e+00 : f32
      %broadcast_in_dim3A_609 = vector.broadcast %broadcast_in_dim3A_608 : f32 to vector<16xf32>
      %swap3A_610 = arith.constant 1616 : index
      %swap3A_611 = tpu.vector_load %arg10[%swap3A_610] {strides = array<i32>} : memref<2048xf32, #tpu.memory_space<vmem>>, vector<16xf32>,
      %swap3A_612 = vector.shape_cast %swap3A_611 : vector<16xf32> to vector<16xf32>
      %swap3A_613 = vector.shape_cast %broadcast_in_dim3A_609 : vector<16xf32> to vector<16xf32>
      tpu.vector_store %arg10[%swap3A_610], %swap3A_613 {strides = array<i32>} : memref<2048xf32, #tpu.memory_space<vmem>>, vector<16xf32>,
      %broadcast_in_dim3A_614 = arith.constant 0.000000e+00 : f32
      %broadcast_in_dim3A_615 = vector.broadcast %broadcast_in_dim3A_614 : f32 to vector<16xf32>
      %swap3A_616 = arith.constant 1632 : index
      %swap3A_617 = tpu.vector_load %arg10[%swap3A_616] {strides = array<i32>} : memref<2048xf32, #tpu.memory_space<vmem>>, vector<16xf32>,
      %swap3A_618 = vector.shape_cast %swap3A_617 : vector<16xf32> to vector<16xf32>
      %swap3A_619 = vector.shape_cast %broadcast_in_dim3A_615 : vector<16xf32> to vector<16xf32>
      tpu.vector_store %arg10[%swap3A_616], %swap3A_619 {strides = array<i32>} : memref<2048xf32, #tpu.memory_space<vmem>>, vector<16xf32>,
      %broadcast_in_dim3A_620 = arith.constant 0.000000e+00 : f32
      %broadcast_in_dim3A_621 = vector.broadcast %broadcast_in_dim3A_620 : f32 to vector<16xf32>
      %swap3A_622 = arith.constant 1648 : index
      %swap3A_623 = tpu.vector_load %arg10[%swap3A_622] {strides = array<i32>} : memref<2048xf32, #tpu.memory_space<vmem>>, vector<16xf32>,
      %swap3A_624 = vector.shape_cast %swap3A_623 : vector<16xf32> to vector<16xf32>
      %swap3A_625 = vector.shape_cast %broadcast_in_dim3A_621 : vector<16xf32> to vector<16xf32>
      tpu.vector_store %arg10[%swap3A_622], %swap3A_625 {strides = array<i32>} : memref<2048xf32, #tpu.memory_space<vmem>>, vector<16xf32>,
      %broadcast_in_dim3A_626 = arith.constant 0.000000e+00 : f32
      %broadcast_in_dim3A_627 = vector.broadcast %broadcast_in_dim3A_626 : f32 to vector<16xf32>
      %swap3A_628 = arith.constant 1664 : index
      %swap3A_629 = tpu.vector_load %arg10[%swap3A_628] {strides = array<i32>} : memref<2048xf32, #tpu.memory_space<vmem>>, vector<16xf32>,
      %swap3A_630 = vector.shape_cast %swap3A_629 : vector<16xf32> to vector<16xf32>
      %swap3A_631 = vector.shape_cast %broadcast_in_dim3A_627 : vector<16xf32> to vector<16xf32>
      tpu.vector_store %arg10[%swap3A_628], %swap3A_631 {strides = array<i32>} : memref<2048xf32, #tpu.memory_space<vmem>>, vector<16xf32>,
      %broadcast_in_dim3A_632 = arith.constant 0.000000e+00 : f32
      %broadcast_in_dim3A_633 = vector.broadcast %broadcast_in_dim3A_632 : f32 to vector<16xf32>
      %swap3A_634 = arith.constant 1680 : index
      %swap3A_635 = tpu.vector_load %arg10[%swap3A_634] {strides = array<i32>} : memref<2048xf32, #tpu.memory_space<vmem>>, vector<16xf32>,
      %swap3A_636 = vector.shape_cast %swap3A_635 : vector<16xf32> to vector<16xf32>
      %swap3A_637 = vector.shape_cast %broadcast_in_dim3A_633 : vector<16xf32> to vector<16xf32>
      tpu.vector_store %arg10[%swap3A_634], %swap3A_637 {strides = array<i32>} : memref<2048xf32, #tpu.memory_space<vmem>>, vector<16xf32>,
      %broadcast_in_dim3A_638 = arith.constant 0.000000e+00 : f32
      %broadcast_in_dim3A_639 = vector.broadcast %broadcast_in_dim3A_638 : f32 to vector<16xf32>
      %swap3A_640 = arith.constant 1696 : index
      %swap3A_641 = tpu.vector_load %arg10[%swap3A_640] {strides = array<i32>} : memref<2048xf32, #tpu.memory_space<vmem>>, vector<16xf32>,
      %swap3A_642 = vector.shape_cast %swap3A_641 : vector<16xf32> to vector<16xf32>
      %swap3A_643 = vector.shape_cast %broadcast_in_dim3A_639 : vector<16xf32> to vector<16xf32>
      tpu.vector_store %arg10[%swap3A_640], %swap3A_643 {strides = array<i32>} : memref<2048xf32, #tpu.memory_space<vmem>>, vector<16xf32>,
      %broadcast_in_dim3A_644 = arith.constant 0.000000e+00 : f32
      %broadcast_in_dim3A_645 = vector.broadcast %broadcast_in_dim3A_644 : f32 to vector<16xf32>
      %swap3A_646 = arith.constant 1712 : index
      %swap3A_647 = tpu.vector_load %arg10[%swap3A_646] {strides = array<i32>} : memref<2048xf32, #tpu.memory_space<vmem>>, vector<16xf32>,
      %swap3A_648 = vector.shape_cast %swap3A_647 : vector<16xf32> to vector<16xf32>
      %swap3A_649 = vector.shape_cast %broadcast_in_dim3A_645 : vector<16xf32> to vector<16xf32>
      tpu.vector_store %arg10[%swap3A_646], %swap3A_649 {strides = array<i32>} : memref<2048xf32, #tpu.memory_space<vmem>>, vector<16xf32>,
      %broadcast_in_dim3A_650 = arith.constant 0.000000e+00 : f32
      %broadcast_in_dim3A_651 = vector.broadcast %broadcast_in_dim3A_650 : f32 to vector<16xf32>
      %swap3A_652 = arith.constant 1728 : index
      %swap3A_653 = tpu.vector_load %arg10[%swap3A_652] {strides = array<i32>} : memref<2048xf32, #tpu.memory_space<vmem>>, vector<16xf32>,
      %swap3A_654 = vector.shape_cast %swap3A_653 : vector<16xf32> to vector<16xf32>
      %swap3A_655 = vector.shape_cast %broadcast_in_dim3A_651 : vector<16xf32> to vector<16xf32>
      tpu.vector_store %arg10[%swap3A_652], %swap3A_655 {strides = array<i32>} : memref<2048xf32, #tpu.memory_space<vmem>>, vector<16xf32>,
      %broadcast_in_dim3A_656 = arith.constant 0.000000e+00 : f32
      %broadcast_in_dim3A_657 = vector.broadcast %broadcast_in_dim3A_656 : f32 to vector<16xf32>
      %swap3A_658 = arith.constant 1744 : index
      %swap3A_659 = tpu.vector_load %arg10[%swap3A_658] {strides = array<i32>} : memref<2048xf32, #tpu.memory_space<vmem>>, vector<16xf32>,
      %swap3A_660 = vector.shape_cast %swap3A_659 : vector<16xf32> to vector<16xf32>
      %swap3A_661 = vector.shape_cast %broadcast_in_dim3A_657 : vector<16xf32> to vector<16xf32>
      tpu.vector_store %arg10[%swap3A_658], %swap3A_661 {strides = array<i32>} : memref<2048xf32, #tpu.memory_space<vmem>>, vector<16xf32>,
      %broadcast_in_dim3A_662 = arith.constant 0.000000e+00 : f32
      %broadcast_in_dim3A_663 = vector.broadcast %broadcast_in_dim3A_662 : f32 to vector<16xf32>
      %swap3A_664 = arith.constant 1760 : index
      %swap3A_665 = tpu.vector_load %arg10[%swap3A_664] {strides = array<i32>} : memref<2048xf32, #tpu.memory_space<vmem>>, vector<16xf32>,
      %swap3A_666 = vector.shape_cast %swap3A_665 : vector<16xf32> to vector<16xf32>
      %swap3A_667 = vector.shape_cast %broadcast_in_dim3A_663 : vector<16xf32> to vector<16xf32>
      tpu.vector_store %arg10[%swap3A_664], %swap3A_667 {strides = array<i32>} : memref<2048xf32, #tpu.memory_space<vmem>>, vector<16xf32>,
      %broadcast_in_dim3A_668 = arith.constant 0.000000e+00 : f32
      %broadcast_in_dim3A_669 = vector.broadcast %broadcast_in_dim3A_668 : f32 to vector<16xf32>
      %swap3A_670 = arith.constant 1776 : index
      %swap3A_671 = tpu.vector_load %arg10[%swap3A_670] {strides = array<i32>} : memref<2048xf32, #tpu.memory_space<vmem>>, vector<16xf32>,
      %swap3A_672 = vector.shape_cast %swap3A_671 : vector<16xf32> to vector<16xf32>
      %swap3A_673 = vector.shape_cast %broadcast_in_dim3A_669 : vector<16xf32> to vector<16xf32>
      tpu.vector_store %arg10[%swap3A_670], %swap3A_673 {strides = array<i32>} : memref<2048xf32, #tpu.memory_space<vmem>>, vector<16xf32>,
      %broadcast_in_dim3A_674 = arith.constant 0.000000e+00 : f32
      %broadcast_in_dim3A_675 = vector.broadcast %broadcast_in_dim3A_674 : f32 to vector<16xf32>
      %swap3A_676 = arith.constant 1792 : index
      %swap3A_677 = tpu.vector_load %arg10[%swap3A_676] {strides = array<i32>} : memref<2048xf32, #tpu.memory_space<vmem>>, vector<16xf32>,
      %swap3A_678 = vector.shape_cast %swap3A_677 : vector<16xf32> to vector<16xf32>
      %swap3A_679 = vector.shape_cast %broadcast_in_dim3A_675 : vector<16xf32> to vector<16xf32>
      tpu.vector_store %arg10[%swap3A_676], %swap3A_679 {strides = array<i32>} : memref<2048xf32, #tpu.memory_space<vmem>>, vector<16xf32>,
      %broadcast_in_dim3A_680 = arith.constant 0.000000e+00 : f32
      %broadcast_in_dim3A_681 = vector.broadcast %broadcast_in_dim3A_680 : f32 to vector<16xf32>
      %swap3A_682 = arith.constant 1808 : index
      %swap3A_683 = tpu.vector_load %arg10[%swap3A_682] {strides = array<i32>} : memref<2048xf32, #tpu.memory_space<vmem>>, vector<16xf32>,
      %swap3A_684 = vector.shape_cast %swap3A_683 : vector<16xf32> to vector<16xf32>
      %swap3A_685 = vector.shape_cast %broadcast_in_dim3A_681 : vector<16xf32> to vector<16xf32>
      tpu.vector_store %arg10[%swap3A_682], %swap3A_685 {strides = array<i32>} : memref<2048xf32, #tpu.memory_space<vmem>>, vector<16xf32>,
      %broadcast_in_dim3A_686 = arith.constant 0.000000e+00 : f32
      %broadcast_in_dim3A_687 = vector.broadcast %broadcast_in_dim3A_686 : f32 to vector<16xf32>
      %swap3A_688 = arith.constant 1824 : index
      %swap3A_689 = tpu.vector_load %arg10[%swap3A_688] {strides = array<i32>} : memref<2048xf32, #tpu.memory_space<vmem>>, vector<16xf32>,
      %swap3A_690 = vector.shape_cast %swap3A_689 : vector<16xf32> to vector<16xf32>
      %swap3A_691 = vector.shape_cast %broadcast_in_dim3A_687 : vector<16xf32> to vector<16xf32>
      tpu.vector_store %arg10[%swap3A_688], %swap3A_691 {strides = array<i32>} : memref<2048xf32, #tpu.memory_space<vmem>>, vector<16xf32>,
      %broadcast_in_dim3A_692 = arith.constant 0.000000e+00 : f32
      %broadcast_in_dim3A_693 = vector.broadcast %broadcast_in_dim3A_692 : f32 to vector<16xf32>
      %swap3A_694 = arith.constant 1840 : index
      %swap3A_695 = tpu.vector_load %arg10[%swap3A_694] {strides = array<i32>} : memref<2048xf32, #tpu.memory_space<vmem>>, vector<16xf32>,
      %swap3A_696 = vector.shape_cast %swap3A_695 : vector<16xf32> to vector<16xf32>
      %swap3A_697 = vector.shape_cast %broadcast_in_dim3A_693 : vector<16xf32> to vector<16xf32>
      tpu.vector_store %arg10[%swap3A_694], %swap3A_697 {strides = array<i32>} : memref<2048xf32, #tpu.memory_space<vmem>>, vector<16xf32>,
      %broadcast_in_dim3A_698 = arith.constant 0.000000e+00 : f32
      %broadcast_in_dim3A_699 = vector.broadcast %broadcast_in_dim3A_698 : f32 to vector<16xf32>
      %swap3A_700 = arith.constant 1856 : index
      %swap3A_701 = tpu.vector_load %arg10[%swap3A_700] {strides = array<i32>} : memref<2048xf32, #tpu.memory_space<vmem>>, vector<16xf32>,
      %swap3A_702 = vector.shape_cast %swap3A_701 : vector<16xf32> to vector<16xf32>
      %swap3A_703 = vector.shape_cast %broadcast_in_dim3A_699 : vector<16xf32> to vector<16xf32>
      tpu.vector_store %arg10[%swap3A_700], %swap3A_703 {strides = array<i32>} : memref<2048xf32, #tpu.memory_space<vmem>>, vector<16xf32>,
      %broadcast_in_dim3A_704 = arith.constant 0.000000e+00 : f32
      %broadcast_in_dim3A_705 = vector.broadcast %broadcast_in_dim3A_704 : f32 to vector<16xf32>
      %swap3A_706 = arith.constant 1872 : index
      %swap3A_707 = tpu.vector_load %arg10[%swap3A_706] {strides = array<i32>} : memref<2048xf32, #tpu.memory_space<vmem>>, vector<16xf32>,
      %swap3A_708 = vector.shape_cast %swap3A_707 : vector<16xf32> to vector<16xf32>
      %swap3A_709 = vector.shape_cast %broadcast_in_dim3A_705 : vector<16xf32> to vector<16xf32>
      tpu.vector_store %arg10[%swap3A_706], %swap3A_709 {strides = array<i32>} : memref<2048xf32, #tpu.memory_space<vmem>>, vector<16xf32>,
      %broadcast_in_dim3A_710 = arith.constant 0.000000e+00 : f32
      %broadcast_in_dim3A_711 = vector.broadcast %broadcast_in_dim3A_710 : f32 to vector<16xf32>
      %swap3A_712 = arith.constant 1888 : index
      %swap3A_713 = tpu.vector_load %arg10[%swap3A_712] {strides = array<i32>} : memref<2048xf32, #tpu.memory_space<vmem>>, vector<16xf32>,
      %swap3A_714 = vector.shape_cast %swap3A_713 : vector<16xf32> to vector<16xf32>
      %swap3A_715 = vector.shape_cast %broadcast_in_dim3A_711 : vector<16xf32> to vector<16xf32>
      tpu.vector_store %arg10[%swap3A_712], %swap3A_715 {strides = array<i32>} : memref<2048xf32, #tpu.memory_space<vmem>>, vector<16xf32>,
      %broadcast_in_dim3A_716 = arith.constant 0.000000e+00 : f32
      %broadcast_in_dim3A_717 = vector.broadcast %broadcast_in_dim3A_716 : f32 to vector<16xf32>
      %swap3A_718 = arith.constant 1904 : index
      %swap3A_719 = tpu.vector_load %arg10[%swap3A_718] {strides = array<i32>} : memref<2048xf32, #tpu.memory_space<vmem>>, vector<16xf32>,
      %swap3A_720 = vector.shape_cast %swap3A_719 : vector<16xf32> to vector<16xf32>
      %swap3A_721 = vector.shape_cast %broadcast_in_dim3A_717 : vector<16xf32> to vector<16xf32>
      tpu.vector_store %arg10[%swap3A_718], %swap3A_721 {strides = array<i32>} : memref<2048xf32, #tpu.memory_space<vmem>>, vector<16xf32>,
      %broadcast_in_dim3A_722 = arith.constant 0.000000e+00 : f32
      %broadcast_in_dim3A_723 = vector.broadcast %broadcast_in_dim3A_722 : f32 to vector<16xf32>
      %swap3A_724 = arith.constant 1920 : index
      %swap3A_725 = tpu.vector_load %arg10[%swap3A_724] {strides = array<i32>} : memref<2048xf32, #tpu.memory_space<vmem>>, vector<16xf32>,
      %swap3A_726 = vector.shape_cast %swap3A_725 : vector<16xf32> to vector<16xf32>
      %swap3A_727 = vector.shape_cast %broadcast_in_dim3A_723 : vector<16xf32> to vector<16xf32>
      tpu.vector_store %arg10[%swap3A_724], %swap3A_727 {strides = array<i32>} : memref<2048xf32, #tpu.memory_space<vmem>>, vector<16xf32>,
      %broadcast_in_dim3A_728 = arith.constant 0.000000e+00 : f32
      %broadcast_in_dim3A_729 = vector.broadcast %broadcast_in_dim3A_728 : f32 to vector<16xf32>
      %swap3A_730 = arith.constant 1936 : index
      %swap3A_731 = tpu.vector_load %arg10[%swap3A_730] {strides = array<i32>} : memref<2048xf32, #tpu.memory_space<vmem>>, vector<16xf32>,
      %swap3A_732 = vector.shape_cast %swap3A_731 : vector<16xf32> to vector<16xf32>
      %swap3A_733 = vector.shape_cast %broadcast_in_dim3A_729 : vector<16xf32> to vector<16xf32>
      tpu.vector_store %arg10[%swap3A_730], %swap3A_733 {strides = array<i32>} : memref<2048xf32, #tpu.memory_space<vmem>>, vector<16xf32>,
      %broadcast_in_dim3A_734 = arith.constant 0.000000e+00 : f32
      %broadcast_in_dim3A_735 = vector.broadcast %broadcast_in_dim3A_734 : f32 to vector<16xf32>
      %swap3A_736 = arith.constant 1952 : index
      %swap3A_737 = tpu.vector_load %arg10[%swap3A_736] {strides = array<i32>} : memref<2048xf32, #tpu.memory_space<vmem>>, vector<16xf32>,
      %swap3A_738 = vector.shape_cast %swap3A_737 : vector<16xf32> to vector<16xf32>
      %swap3A_739 = vector.shape_cast %broadcast_in_dim3A_735 : vector<16xf32> to vector<16xf32>
      tpu.vector_store %arg10[%swap3A_736], %swap3A_739 {strides = array<i32>} : memref<2048xf32, #tpu.memory_space<vmem>>, vector<16xf32>,
      %broadcast_in_dim3A_740 = arith.constant 0.000000e+00 : f32
      %broadcast_in_dim3A_741 = vector.broadcast %broadcast_in_dim3A_740 : f32 to vector<16xf32>
      %swap3A_742 = arith.constant 1968 : index
      %swap3A_743 = tpu.vector_load %arg10[%swap3A_742] {strides = array<i32>} : memref<2048xf32, #tpu.memory_space<vmem>>, vector<16xf32>,
      %swap3A_744 = vector.shape_cast %swap3A_743 : vector<16xf32> to vector<16xf32>
      %swap3A_745 = vector.shape_cast %broadcast_in_dim3A_741 : vector<16xf32> to vector<16xf32>
      tpu.vector_store %arg10[%swap3A_742], %swap3A_745 {strides = array<i32>} : memref<2048xf32, #tpu.memory_space<vmem>>, vector<16xf32>,
      %broadcast_in_dim3A_746 = arith.constant 0.000000e+00 : f32
      %broadcast_in_dim3A_747 = vector.broadcast %broadcast_in_dim3A_746 : f32 to vector<16xf32>
      %swap3A_748 = arith.constant 1984 : index
      %swap3A_749 = tpu.vector_load %arg10[%swap3A_748] {strides = array<i32>} : memref<2048xf32, #tpu.memory_space<vmem>>, vector<16xf32>,
      %swap3A_750 = vector.shape_cast %swap3A_749 : vector<16xf32> to vector<16xf32>
      %swap3A_751 = vector.shape_cast %broadcast_in_dim3A_747 : vector<16xf32> to vector<16xf32>
      tpu.vector_store %arg10[%swap3A_748], %swap3A_751 {strides = array<i32>} : memref<2048xf32, #tpu.memory_space<vmem>>, vector<16xf32>,
      %broadcast_in_dim3A_752 = arith.constant 0.000000e+00 : f32
      %broadcast_in_dim3A_753 = vector.broadcast %broadcast_in_dim3A_752 : f32 to vector<16xf32>
      %swap3A_754 = arith.constant 2000 : index
      %swap3A_755 = tpu.vector_load %arg10[%swap3A_754] {strides = array<i32>} : memref<2048xf32, #tpu.memory_space<vmem>>, vector<16xf32>,
      %swap3A_756 = vector.shape_cast %swap3A_755 : vector<16xf32> to vector<16xf32>
      %swap3A_757 = vector.shape_cast %broadcast_in_dim3A_753 : vector<16xf32> to vector<16xf32>
      tpu.vector_store %arg10[%swap3A_754], %swap3A_757 {strides = array<i32>} : memref<2048xf32, #tpu.memory_space<vmem>>, vector<16xf32>,
      %broadcast_in_dim3A_758 = arith.constant 0.000000e+00 : f32
      %broadcast_in_dim3A_759 = vector.broadcast %broadcast_in_dim3A_758 : f32 to vector<16xf32>
      %swap3A_760 = arith.constant 2016 : index
      %swap3A_761 = tpu.vector_load %arg10[%swap3A_760] {strides = array<i32>} : memref<2048xf32, #tpu.memory_space<vmem>>, vector<16xf32>,
      %swap3A_762 = vector.shape_cast %swap3A_761 : vector<16xf32> to vector<16xf32>
      %swap3A_763 = vector.shape_cast %broadcast_in_dim3A_759 : vector<16xf32> to vector<16xf32>
      tpu.vector_store %arg10[%swap3A_760], %swap3A_763 {strides = array<i32>} : memref<2048xf32, #tpu.memory_space<vmem>>, vector<16xf32>,
      %broadcast_in_dim3A_764 = arith.constant 0.000000e+00 : f32
      %broadcast_in_dim3A_765 = vector.broadcast %broadcast_in_dim3A_764 : f32 to vector<16xf32>
      %swap3A_766 = arith.constant 2032 : index
      %swap3A_767 = tpu.vector_load %arg10[%swap3A_766] {strides = array<i32>} : memref<2048xf32, #tpu.memory_space<vmem>>, vector<16xf32>,
      %swap3A_768 = vector.shape_cast %swap3A_767 : vector<16xf32> to vector<16xf32>
      %swap3A_769 = vector.shape_cast %broadcast_in_dim3A_765 : vector<16xf32> to vector<16xf32>
      tpu.vector_store %arg10[%swap3A_766], %swap3A_769 {strides = array<i32>} : memref<2048xf32, #tpu.memory_space<vmem>>, vector<16xf32>,
      %get3A = arith.constant 0 : index
      %get3A_770 = tpu.vector_load %arg6[%get3A] {strides = array<i32>} : memref<256xi32, #tpu.memory_space<vmem>>, vector<16xi32>,
      %get3A_771 = vector.shape_cast %get3A_770 : vector<16xi32> to vector<16xi32>
      %get3A_772 = arith.constant 0 : index
      %get3A_773 = tpu.vector_load %arg8[%get3A_772] {strides = array<i32>} : memref<256xi32, #tpu.memory_space<vmem>>, vector<16xi32>,
      %get3A_774 = vector.shape_cast %get3A_773 : vector<16xi32> to vector<16xi32>
      %mul3A = arith.constant 128 : i32
      %mul3A_775 = vector.broadcast %mul3A : i32 to vector<16xi32>
      %mul3A_776 = arith.muli %get3A_771, %mul3A_775 : vector<16xi32>
      %add3A = arith.addi %mul3A_776, %get3A_774 : vector<16xi32>
      %swap3A_777 = arith.constant 0 : index
      %swap3A_778 = tpu.vector_load %arg9[%swap3A_777] {strides = array<i32>} : memref<256xi32, #tpu.memory_space<vmem>>, vector<16xi32>,
      %swap3A_779 = vector.shape_cast %swap3A_778 : vector<16xi32> to vector<16xi32>
      %swap3A_780 = vector.shape_cast %add3A : vector<16xi32> to vector<16xi32>
      tpu.vector_store %arg9[%swap3A_777], %swap3A_780 {strides = array<i32>} : memref<256xi32, #tpu.memory_space<vmem>>, vector<16xi32>,
      %get3A_781 = arith.constant 16 : index
      %get3A_782 = tpu.vector_load %arg6[%get3A_781] {strides = array<i32>} : memref<256xi32, #tpu.memory_space<vmem>>, vector<16xi32>,
      %get3A_783 = vector.shape_cast %get3A_782 : vector<16xi32> to vector<16xi32>
      %get3A_784 = arith.constant 16 : index
      %get3A_785 = tpu.vector_load %arg8[%get3A_784] {strides = array<i32>} : memref<256xi32, #tpu.memory_space<vmem>>, vector<16xi32>,
      %get3A_786 = vector.shape_cast %get3A_785 : vector<16xi32> to vector<16xi32>
      %mul3A_787 = arith.constant 128 : i32
      %mul3A_788 = vector.broadcast %mul3A_787 : i32 to vector<16xi32>
      %mul3A_789 = arith.muli %get3A_783, %mul3A_788 : vector<16xi32>
      %add3A_790 = arith.addi %mul3A_789, %get3A_786 : vector<16xi32>
      %swap3A_791 = arith.constant 16 : index
      %swap3A_792 = tpu.vector_load %arg9[%swap3A_791] {strides = array<i32>} : memref<256xi32, #tpu.memory_space<vmem>>, vector<16xi32>,
      %swap3A_793 = vector.shape_cast %swap3A_792 : vector<16xi32> to vector<16xi32>
      %swap3A_794 = vector.shape_cast %add3A_790 : vector<16xi32> to vector<16xi32>
      tpu.vector_store %arg9[%swap3A_791], %swap3A_794 {strides = array<i32>} : memref<256xi32, #tpu.memory_space<vmem>>, vector<16xi32>,
      %get3A_795 = arith.constant 32 : index
      %get3A_796 = tpu.vector_load %arg6[%get3A_795] {strides = array<i32>} : memref<256xi32, #tpu.memory_space<vmem>>, vector<16xi32>,
      %get3A_797 = vector.shape_cast %get3A_796 : vector<16xi32> to vector<16xi32>
      %get3A_798 = arith.constant 32 : index
      %get3A_799 = tpu.vector_load %arg8[%get3A_798] {strides = array<i32>} : memref<256xi32, #tpu.memory_space<vmem>>, vector<16xi32>,
      %get3A_800 = vector.shape_cast %get3A_799 : vector<16xi32> to vector<16xi32>
      %mul3A_801 = arith.constant 128 : i32
      %mul3A_802 = vector.broadcast %mul3A_801 : i32 to vector<16xi32>
      %mul3A_803 = arith.muli %get3A_797, %mul3A_802 : vector<16xi32>
      %add3A_804 = arith.addi %mul3A_803, %get3A_800 : vector<16xi32>
      %swap3A_805 = arith.constant 32 : index
      %swap3A_806 = tpu.vector_load %arg9[%swap3A_805] {strides = array<i32>} : memref<256xi32, #tpu.memory_space<vmem>>, vector<16xi32>,
      %swap3A_807 = vector.shape_cast %swap3A_806 : vector<16xi32> to vector<16xi32>
      %swap3A_808 = vector.shape_cast %add3A_804 : vector<16xi32> to vector<16xi32>
      tpu.vector_store %arg9[%swap3A_805], %swap3A_808 {strides = array<i32>} : memref<256xi32, #tpu.memory_space<vmem>>, vector<16xi32>,
      %get3A_809 = arith.constant 48 : index
      %get3A_810 = tpu.vector_load %arg6[%get3A_809] {strides = array<i32>} : memref<256xi32, #tpu.memory_space<vmem>>, vector<16xi32>,
      %get3A_811 = vector.shape_cast %get3A_810 : vector<16xi32> to vector<16xi32>
      %get3A_812 = arith.constant 48 : index
      %get3A_813 = tpu.vector_load %arg8[%get3A_812] {strides = array<i32>} : memref<256xi32, #tpu.memory_space<vmem>>, vector<16xi32>,
      %get3A_814 = vector.shape_cast %get3A_813 : vector<16xi32> to vector<16xi32>
      %mul3A_815 = arith.constant 128 : i32
      %mul3A_816 = vector.broadcast %mul3A_815 : i32 to vector<16xi32>
      %mul3A_817 = arith.muli %get3A_811, %mul3A_816 : vector<16xi32>
      %add3A_818 = arith.addi %mul3A_817, %get3A_814 : vector<16xi32>
      %swap3A_819 = arith.constant 48 : index
      %swap3A_820 = tpu.vector_load %arg9[%swap3A_819] {strides = array<i32>} : memref<256xi32, #tpu.memory_space<vmem>>, vector<16xi32>,
      %swap3A_821 = vector.shape_cast %swap3A_820 : vector<16xi32> to vector<16xi32>
      %swap3A_822 = vector.shape_cast %add3A_818 : vector<16xi32> to vector<16xi32>
      tpu.vector_store %arg9[%swap3A_819], %swap3A_822 {strides = array<i32>} : memref<256xi32, #tpu.memory_space<vmem>>, vector<16xi32>,
      %get3A_823 = arith.constant 64 : index
      %get3A_824 = tpu.vector_load %arg6[%get3A_823] {strides = array<i32>} : memref<256xi32, #tpu.memory_space<vmem>>, vector<16xi32>,
      %get3A_825 = vector.shape_cast %get3A_824 : vector<16xi32> to vector<16xi32>
      %get3A_826 = arith.constant 64 : index
      %get3A_827 = tpu.vector_load %arg8[%get3A_826] {strides = array<i32>} : memref<256xi32, #tpu.memory_space<vmem>>, vector<16xi32>,
      %get3A_828 = vector.shape_cast %get3A_827 : vector<16xi32> to vector<16xi32>
      %mul3A_829 = arith.constant 128 : i32
      %mul3A_830 = vector.broadcast %mul3A_829 : i32 to vector<16xi32>
      %mul3A_831 = arith.muli %get3A_825, %mul3A_830 : vector<16xi32>
      %add3A_832 = arith.addi %mul3A_831, %get3A_828 : vector<16xi32>
      %swap3A_833 = arith.constant 64 : index
      %swap3A_834 = tpu.vector_load %arg9[%swap3A_833] {strides = array<i32>} : memref<256xi32, #tpu.memory_space<vmem>>, vector<16xi32>,
      %swap3A_835 = vector.shape_cast %swap3A_834 : vector<16xi32> to vector<16xi32>
      %swap3A_836 = vector.shape_cast %add3A_832 : vector<16xi32> to vector<16xi32>
      tpu.vector_store %arg9[%swap3A_833], %swap3A_836 {strides = array<i32>} : memref<256xi32, #tpu.memory_space<vmem>>, vector<16xi32>,
      %get3A_837 = arith.constant 80 : index
      %get3A_838 = tpu.vector_load %arg6[%get3A_837] {strides = array<i32>} : memref<256xi32, #tpu.memory_space<vmem>>, vector<16xi32>,
      %get3A_839 = vector.shape_cast %get3A_838 : vector<16xi32> to vector<16xi32>
      %get3A_840 = arith.constant 80 : index
      %get3A_841 = tpu.vector_load %arg8[%get3A_840] {strides = array<i32>} : memref<256xi32, #tpu.memory_space<vmem>>, vector<16xi32>,
      %get3A_842 = vector.shape_cast %get3A_841 : vector<16xi32> to vector<16xi32>
      %mul3A_843 = arith.constant 128 : i32
      %mul3A_844 = vector.broadcast %mul3A_843 : i32 to vector<16xi32>
      %mul3A_845 = arith.muli %get3A_839, %mul3A_844 : vector<16xi32>
      %add3A_846 = arith.addi %mul3A_845, %get3A_842 : vector<16xi32>
      %swap3A_847 = arith.constant 80 : index
      %swap3A_848 = tpu.vector_load %arg9[%swap3A_847] {strides = array<i32>} : memref<256xi32, #tpu.memory_space<vmem>>, vector<16xi32>,
      %swap3A_849 = vector.shape_cast %swap3A_848 : vector<16xi32> to vector<16xi32>
      %swap3A_850 = vector.shape_cast %add3A_846 : vector<16xi32> to vector<16xi32>
      tpu.vector_store %arg9[%swap3A_847], %swap3A_850 {strides = array<i32>} : memref<256xi32, #tpu.memory_space<vmem>>, vector<16xi32>,
      %get3A_851 = arith.constant 96 : index
      %get3A_852 = tpu.vector_load %arg6[%get3A_851] {strides = array<i32>} : memref<256xi32, #tpu.memory_space<vmem>>, vector<16xi32>,
      %get3A_853 = vector.shape_cast %get3A_852 : vector<16xi32> to vector<16xi32>
      %get3A_854 = arith.constant 96 : index
      %get3A_855 = tpu.vector_load %arg8[%get3A_854] {strides = array<i32>} : memref<256xi32, #tpu.memory_space<vmem>>, vector<16xi32>,
      %get3A_856 = vector.shape_cast %get3A_855 : vector<16xi32> to vector<16xi32>
      %mul3A_857 = arith.constant 128 : i32
      %mul3A_858 = vector.broadcast %mul3A_857 : i32 to vector<16xi32>
      %mul3A_859 = arith.muli %get3A_853, %mul3A_858 : vector<16xi32>
      %add3A_860 = arith.addi %mul3A_859, %get3A_856 : vector<16xi32>
      %swap3A_861 = arith.constant 96 : index
      %swap3A_862 = tpu.vector_load %arg9[%swap3A_861] {strides = array<i32>} : memref<256xi32, #tpu.memory_space<vmem>>, vector<16xi32>,
      %swap3A_863 = vector.shape_cast %swap3A_862 : vector<16xi32> to vector<16xi32>
      %swap3A_864 = vector.shape_cast %add3A_860 : vector<16xi32> to vector<16xi32>
      tpu.vector_store %arg9[%swap3A_861], %swap3A_864 {strides = array<i32>} : memref<256xi32, #tpu.memory_space<vmem>>, vector<16xi32>,
      %get3A_865 = arith.constant 112 : index
      %get3A_866 = tpu.vector_load %arg6[%get3A_865] {strides = array<i32>} : memref<256xi32, #tpu.memory_space<vmem>>, vector<16xi32>,
      %get3A_867 = vector.shape_cast %get3A_866 : vector<16xi32> to vector<16xi32>
      %get3A_868 = arith.constant 112 : index
      %get3A_869 = tpu.vector_load %arg8[%get3A_868] {strides = array<i32>} : memref<256xi32, #tpu.memory_space<vmem>>, vector<16xi32>,
      %get3A_870 = vector.shape_cast %get3A_869 : vector<16xi32> to vector<16xi32>
      %mul3A_871 = arith.constant 128 : i32
      %mul3A_872 = vector.broadcast %mul3A_871 : i32 to vector<16xi32>
      %mul3A_873 = arith.muli %get3A_867, %mul3A_872 : vector<16xi32>
      %add3A_874 = arith.addi %mul3A_873, %get3A_870 : vector<16xi32>
      %swap3A_875 = arith.constant 112 : index
      %swap3A_876 = tpu.vector_load %arg9[%swap3A_875] {strides = array<i32>} : memref<256xi32, #tpu.memory_space<vmem>>, vector<16xi32>,
      %swap3A_877 = vector.shape_cast %swap3A_876 : vector<16xi32> to vector<16xi32>
      %swap3A_878 = vector.shape_cast %add3A_874 : vector<16xi32> to vector<16xi32>
      tpu.vector_store %arg9[%swap3A_875], %swap3A_878 {strides = array<i32>} : memref<256xi32, #tpu.memory_space<vmem>>, vector<16xi32>,
      %get3A_879 = arith.constant 128 : index
      %get3A_880 = tpu.vector_load %arg6[%get3A_879] {strides = array<i32>} : memref<256xi32, #tpu.memory_space<vmem>>, vector<16xi32>,
      %get3A_881 = vector.shape_cast %get3A_880 : vector<16xi32> to vector<16xi32>
      %get3A_882 = arith.constant 128 : index
      %get3A_883 = tpu.vector_load %arg8[%get3A_882] {strides = array<i32>} : memref<256xi32, #tpu.memory_space<vmem>>, vector<16xi32>,
      %get3A_884 = vector.shape_cast %get3A_883 : vector<16xi32> to vector<16xi32>
      %mul3A_885 = arith.constant 128 : i32
      %mul3A_886 = vector.broadcast %mul3A_885 : i32 to vector<16xi32>
      %mul3A_887 = arith.muli %get3A_881, %mul3A_886 : vector<16xi32>
      %add3A_888 = arith.addi %mul3A_887, %get3A_884 : vector<16xi32>
      %swap3A_889 = arith.constant 128 : index
      %swap3A_890 = tpu.vector_load %arg9[%swap3A_889] {strides = array<i32>} : memref<256xi32, #tpu.memory_space<vmem>>, vector<16xi32>,
      %swap3A_891 = vector.shape_cast %swap3A_890 : vector<16xi32> to vector<16xi32>
      %swap3A_892 = vector.shape_cast %add3A_888 : vector<16xi32> to vector<16xi32>
      tpu.vector_store %arg9[%swap3A_889], %swap3A_892 {strides = array<i32>} : memref<256xi32, #tpu.memory_space<vmem>>, vector<16xi32>,
      %get3A_893 = arith.constant 144 : index
      %get3A_894 = tpu.vector_load %arg6[%get3A_893] {strides = array<i32>} : memref<256xi32, #tpu.memory_space<vmem>>, vector<16xi32>,
      %get3A_895 = vector.shape_cast %get3A_894 : vector<16xi32> to vector<16xi32>
      %get3A_896 = arith.constant 144 : index
      %get3A_897 = tpu.vector_load %arg8[%get3A_896] {strides = array<i32>} : memref<256xi32, #tpu.memory_space<vmem>>, vector<16xi32>,
      %get3A_898 = vector.shape_cast %get3A_897 : vector<16xi32> to vector<16xi32>
      %mul3A_899 = arith.constant 128 : i32
      %mul3A_900 = vector.broadcast %mul3A_899 : i32 to vector<16xi32>
      %mul3A_901 = arith.muli %get3A_895, %mul3A_900 : vector<16xi32>
      %add3A_902 = arith.addi %mul3A_901, %get3A_898 : vector<16xi32>
      %swap3A_903 = arith.constant 144 : index
      %swap3A_904 = tpu.vector_load %arg9[%swap3A_903] {strides = array<i32>} : memref<256xi32, #tpu.memory_space<vmem>>, vector<16xi32>,
      %swap3A_905 = vector.shape_cast %swap3A_904 : vector<16xi32> to vector<16xi32>
      %swap3A_906 = vector.shape_cast %add3A_902 : vector<16xi32> to vector<16xi32>
      tpu.vector_store %arg9[%swap3A_903], %swap3A_906 {strides = array<i32>} : memref<256xi32, #tpu.memory_space<vmem>>, vector<16xi32>,
      %get3A_907 = arith.constant 160 : index
      %get3A_908 = tpu.vector_load %arg6[%get3A_907] {strides = array<i32>} : memref<256xi32, #tpu.memory_space<vmem>>, vector<16xi32>,
      %get3A_909 = vector.shape_cast %get3A_908 : vector<16xi32> to vector<16xi32>
      %get3A_910 = arith.constant 160 : index
      %get3A_911 = tpu.vector_load %arg8[%get3A_910] {strides = array<i32>} : memref<256xi32, #tpu.memory_space<vmem>>, vector<16xi32>,
      %get3A_912 = vector.shape_cast %get3A_911 : vector<16xi32> to vector<16xi32>
      %mul3A_913 = arith.constant 128 : i32
      %mul3A_914 = vector.broadcast %mul3A_913 : i32 to vector<16xi32>
      %mul3A_915 = arith.muli %get3A_909, %mul3A_914 : vector<16xi32>
      %add3A_916 = arith.addi %mul3A_915, %get3A_912 : vector<16xi32>
      %swap3A_917 = arith.constant 160 : index
      %swap3A_918 = tpu.vector_load %arg9[%swap3A_917] {strides = array<i32>} : memref<256xi32, #tpu.memory_space<vmem>>, vector<16xi32>,
      %swap3A_919 = vector.shape_cast %swap3A_918 : vector<16xi32> to vector<16xi32>
      %swap3A_920 = vector.shape_cast %add3A_916 : vector<16xi32> to vector<16xi32>
      tpu.vector_store %arg9[%swap3A_917], %swap3A_920 {strides = array<i32>} : memref<256xi32, #tpu.memory_space<vmem>>, vector<16xi32>,
      %get3A_921 = arith.constant 176 : index
      %get3A_922 = tpu.vector_load %arg6[%get3A_921] {strides = array<i32>} : memref<256xi32, #tpu.memory_space<vmem>>, vector<16xi32>,
      %get3A_923 = vector.shape_cast %get3A_922 : vector<16xi32> to vector<16xi32>
      %get3A_924 = arith.constant 176 : index
      %get3A_925 = tpu.vector_load %arg8[%get3A_924] {strides = array<i32>} : memref<256xi32, #tpu.memory_space<vmem>>, vector<16xi32>,
      %get3A_926 = vector.shape_cast %get3A_925 : vector<16xi32> to vector<16xi32>
      %mul3A_927 = arith.constant 128 : i32
      %mul3A_928 = vector.broadcast %mul3A_927 : i32 to vector<16xi32>
      %mul3A_929 = arith.muli %get3A_923, %mul3A_928 : vector<16xi32>
      %add3A_930 = arith.addi %mul3A_929, %get3A_926 : vector<16xi32>
      %swap3A_931 = arith.constant 176 : index
      %swap3A_932 = tpu.vector_load %arg9[%swap3A_931] {strides = array<i32>} : memref<256xi32, #tpu.memory_space<vmem>>, vector<16xi32>,
      %swap3A_933 = vector.shape_cast %swap3A_932 : vector<16xi32> to vector<16xi32>
      %swap3A_934 = vector.shape_cast %add3A_930 : vector<16xi32> to vector<16xi32>
      tpu.vector_store %arg9[%swap3A_931], %swap3A_934 {strides = array<i32>} : memref<256xi32, #tpu.memory_space<vmem>>, vector<16xi32>,
      %get3A_935 = arith.constant 192 : index
      %get3A_936 = tpu.vector_load %arg6[%get3A_935] {strides = array<i32>} : memref<256xi32, #tpu.memory_space<vmem>>, vector<16xi32>,
      %get3A_937 = vector.shape_cast %get3A_936 : vector<16xi32> to vector<16xi32>
      %get3A_938 = arith.constant 192 : index
      %get3A_939 = tpu.vector_load %arg8[%get3A_938] {strides = array<i32>} : memref<256xi32, #tpu.memory_space<vmem>>, vector<16xi32>,
      %get3A_940 = vector.shape_cast %get3A_939 : vector<16xi32> to vector<16xi32>
      %mul3A_941 = arith.constant 128 : i32
      %mul3A_942 = vector.broadcast %mul3A_941 : i32 to vector<16xi32>
      %mul3A_943 = arith.muli %get3A_937, %mul3A_942 : vector<16xi32>
      %add3A_944 = arith.addi %mul3A_943, %get3A_940 : vector<16xi32>
      %swap3A_945 = arith.constant 192 : index
      %swap3A_946 = tpu.vector_load %arg9[%swap3A_945] {strides = array<i32>} : memref<256xi32, #tpu.memory_space<vmem>>, vector<16xi32>,
      %swap3A_947 = vector.shape_cast %swap3A_946 : vector<16xi32> to vector<16xi32>
      %swap3A_948 = vector.shape_cast %add3A_944 : vector<16xi32> to vector<16xi32>
      tpu.vector_store %arg9[%swap3A_945], %swap3A_948 {strides = array<i32>} : memref<256xi32, #tpu.memory_space<vmem>>, vector<16xi32>,
      %get3A_949 = arith.constant 208 : index
      %get3A_950 = tpu.vector_load %arg6[%get3A_949] {strides = array<i32>} : memref<256xi32, #tpu.memory_space<vmem>>, vector<16xi32>,
      %get3A_951 = vector.shape_cast %get3A_950 : vector<16xi32> to vector<16xi32>
      %get3A_952 = arith.constant 208 : index
      %get3A_953 = tpu.vector_load %arg8[%get3A_952] {strides = array<i32>} : memref<256xi32, #tpu.memory_space<vmem>>, vector<16xi32>,
      %get3A_954 = vector.shape_cast %get3A_953 : vector<16xi32> to vector<16xi32>
      %mul3A_955 = arith.constant 128 : i32
      %mul3A_956 = vector.broadcast %mul3A_955 : i32 to vector<16xi32>
      %mul3A_957 = arith.muli %get3A_951, %mul3A_956 : vector<16xi32>
      %add3A_958 = arith.addi %mul3A_957, %get3A_954 : vector<16xi32>
      %swap3A_959 = arith.constant 208 : index
      %swap3A_960 = tpu.vector_load %arg9[%swap3A_959] {strides = array<i32>} : memref<256xi32, #tpu.memory_space<vmem>>, vector<16xi32>,
      %swap3A_961 = vector.shape_cast %swap3A_960 : vector<16xi32> to vector<16xi32>
      %swap3A_962 = vector.shape_cast %add3A_958 : vector<16xi32> to vector<16xi32>
      tpu.vector_store %arg9[%swap3A_959], %swap3A_962 {strides = array<i32>} : memref<256xi32, #tpu.memory_space<vmem>>, vector<16xi32>,
      %get3A_963 = arith.constant 224 : index
      %get3A_964 = tpu.vector_load %arg6[%get3A_963] {strides = array<i32>} : memref<256xi32, #tpu.memory_space<vmem>>, vector<16xi32>,
      %get3A_965 = vector.shape_cast %get3A_964 : vector<16xi32> to vector<16xi32>
      %get3A_966 = arith.constant 224 : index
      %get3A_967 = tpu.vector_load %arg8[%get3A_966] {strides = array<i32>} : memref<256xi32, #tpu.memory_space<vmem>>, vector<16xi32>,
      %get3A_968 = vector.shape_cast %get3A_967 : vector<16xi32> to vector<16xi32>
      %mul3A_969 = arith.constant 128 : i32
      %mul3A_970 = vector.broadcast %mul3A_969 : i32 to vector<16xi32>
      %mul3A_971 = arith.muli %get3A_965, %mul3A_970 : vector<16xi32>
      %add3A_972 = arith.addi %mul3A_971, %get3A_968 : vector<16xi32>
      %swap3A_973 = arith.constant 224 : index
      %swap3A_974 = tpu.vector_load %arg9[%swap3A_973] {strides = array<i32>} : memref<256xi32, #tpu.memory_space<vmem>>, vector<16xi32>,
      %swap3A_975 = vector.shape_cast %swap3A_974 : vector<16xi32> to vector<16xi32>
      %swap3A_976 = vector.shape_cast %add3A_972 : vector<16xi32> to vector<16xi32>
      tpu.vector_store %arg9[%swap3A_973], %swap3A_976 {strides = array<i32>} : memref<256xi32, #tpu.memory_space<vmem>>, vector<16xi32>,
      %get3A_977 = arith.constant 240 : index
      %get3A_978 = tpu.vector_load %arg6[%get3A_977] {strides = array<i32>} : memref<256xi32, #tpu.memory_space<vmem>>, vector<16xi32>,
      %get3A_979 = vector.shape_cast %get3A_978 : vector<16xi32> to vector<16xi32>
      %get3A_980 = arith.constant 240 : index
      %get3A_981 = tpu.vector_load %arg8[%get3A_980] {strides = array<i32>} : memref<256xi32, #tpu.memory_space<vmem>>, vector<16xi32>,
      %get3A_982 = vector.shape_cast %get3A_981 : vector<16xi32> to vector<16xi32>
      %mul3A_983 = arith.constant 128 : i32
      %mul3A_984 = vector.broadcast %mul3A_983 : i32 to vector<16xi32>
      %mul3A_985 = arith.muli %get3A_979, %mul3A_984 : vector<16xi32>
      %add3A_986 = arith.addi %mul3A_985, %get3A_982 : vector<16xi32>
      %swap3A_987 = arith.constant 240 : index
      %swap3A_988 = tpu.vector_load %arg9[%swap3A_987] {strides = array<i32>} : memref<256xi32, #tpu.memory_space<vmem>>, vector<16xi32>,
      %swap3A_989 = vector.shape_cast %swap3A_988 : vector<16xi32> to vector<16xi32>
      %swap3A_990 = vector.shape_cast %add3A_986 : vector<16xi32> to vector<16xi32>
      tpu.vector_store %arg9[%swap3A_987], %swap3A_990 {strides = array<i32>} : memref<256xi32, #tpu.memory_space<vmem>>, vector<16xi32>,
      "tpu.region"() ({
        %run_scoped3A = tpu.sem_alloc : memref<!tpu.dma_semaphore, #tpu.memory_space<semaphore_mem>>
        tpu.enqueue_dma source(%arg10 : memref<2048xf32, #tpu.memory_space<vmem>>) target(%arg12 : memref<2048xf32, #tpu.memory_space<vmem_shared>>) target_semaphore(%run_scoped3A : memref<!tpu.dma_semaphore, #tpu.memory_space<semaphore_mem>>)
        tpu.wait_dma2 semaphore(%run_scoped3A : memref<!tpu.dma_semaphore, #tpu.memory_space<semaphore_mem>>) src(%arg10 : memref<2048xf32, #tpu.memory_space<vmem>>) dst(%arg12 : memref<2048xf32, #tpu.memory_space<vmem_shared>>)
        tpu.yield
      }) : () -> ()
      "tpu.region"() ({
        %run_scoped3A = tpu.sem_alloc : memref<!tpu.dma_semaphore, #tpu.memory_space<semaphore_mem>>
        %dma_start3A = arith.constant 0 : i32
        %dma_start3A_991 = tpu.memref_slice %arg12[%dma_start3A] : memref<2048xf32, #tpu.memory_space<vmem_shared>> -> memref<2048xf32, #tpu.memory_space<vmem_shared>>
        tpu.enqueue_indirect_dma source(%arg7 : memref<256xf32, #tpu.memory_space<vmem>>) target(%dma_start3A_991 : memref<2048xf32, #tpu.memory_space<vmem_shared>>) offsets(%arg9 : memref<256xi32, #tpu.memory_space<vmem>>) semaphore(%run_scoped3A : memref<!tpu.dma_semaphore, #tpu.memory_space<semaphore_mem>>) {add = true}
        %dma_wait3A = arith.constant 0 : i32
        %dma_wait3A_992 = tpu.memref_slice %arg12[%dma_wait3A] : memref<2048xf32, #tpu.memory_space<vmem_shared>> -> memref<2048xf32, #tpu.memory_space<vmem_shared>>
        tpu.wait_indirect_dma semaphore(%run_scoped3A : memref<!tpu.dma_semaphore, #tpu.memory_space<semaphore_mem>>) src(%arg7 : memref<256xf32, #tpu.memory_space<vmem>>) dst(%dma_wait3A_992 : memref<2048xf32, #tpu.memory_space<vmem_shared>>)
        tpu.yield
      }) : () -> ()
      "tpu.region"() ({
        %run_scoped3A = tpu.sem_alloc : memref<!tpu.dma_semaphore, #tpu.memory_space<semaphore_mem>>
        tpu.enqueue_dma source(%arg12 : memref<2048xf32, #tpu.memory_space<vmem_shared>>) target(%arg11 : memref<2048xf32, #tpu.memory_space<vmem>>) target_semaphore(%run_scoped3A : memref<!tpu.dma_semaphore, #tpu.memory_space<semaphore_mem>>)
        tpu.wait_dma2 semaphore(%run_scoped3A : memref<!tpu.dma_semaphore, #tpu.memory_space<semaphore_mem>>) src(%arg12 : memref<2048xf32, #tpu.memory_space<vmem_shared>>) dst(%arg11 : memref<2048xf32, #tpu.memory_space<vmem>>)
        tpu.yield
      }) : () -> ()
      "tpu.region"() ({
        %run_scoped3A = tpu.sem_alloc : memref<!tpu.dma_semaphore, #tpu.memory_space<semaphore_mem>>
        tpu.enqueue_dma source(%arg11 : memref<2048xf32, #tpu.memory_space<vmem>>) target(%arg5 : memref<2048xf32, #tpu.memory_space<hbm>>) target_semaphore(%run_scoped3A : memref<!tpu.dma_semaphore, #tpu.memory_space<semaphore_mem>>)
        tpu.wait_dma2 semaphore(%run_scoped3A : memref<!tpu.dma_semaphore, #tpu.memory_space<semaphore_mem>>) src(%arg11 : memref<2048xf32, #tpu.memory_space<vmem>>) dst(%arg5 : memref<2048xf32, #tpu.memory_space<hbm>>)
        tpu.yield
      }) : () -> ()
    } else {
    }
    return
  }
}

module attributes {stable_mosaic.version = 14 : i64} {
  func.func @_outer(%arg0: memref<128x1024xf32, #tpu.memory_space<vmem>>, %arg1: memref<16x1x128xf32, #tpu.memory_space<hbm>>, %arg2: memref<16x1024x1024xf32, #tpu.memory_space<hbm>>, %arg3: memref<16x512x1024xf32, #tpu.memory_space<hbm>>, %arg4: memref<128x1024xf32, #tpu.memory_space<vmem>>) attributes {dimension_semantics = [], scalar_prefetch = 0 : i64, scratch_operands = 0 : i64, tpu.core_type = #tpu.core_type<tc>} {
    %broadcast_in_dim3A = arith.constant 0.000000e+00 : f32
    %broadcast_in_dim3A_0 = vector.broadcast %broadcast_in_dim3A : f32 to vector<128x1024xf32>
    %swap3A = arith.constant 0 : index
    %swap3A_1 = arith.constant 0 : index
    %swap3A_2 = vector.load %arg4[%swap3A, %swap3A_1] : memref<128x1024xf32, #tpu.memory_space<vmem>>, vector<128x1024xf32>
    tpu.vector_store %arg4[%swap3A, %swap3A_1], %broadcast_in_dim3A_0 {strides = array<i32>} : memref<128x1024xf32, #tpu.memory_space<vmem>>, vector<128x1024xf32>,
    %get3A = arith.constant 0 : index
    %get3A_3 = arith.constant 0 : index
    %get3A_4 = vector.load %arg0[%get3A, %get3A_3] : memref<128x1024xf32, #tpu.memory_space<vmem>>, vector<128x1024xf32>
    %convert_element_type3A = arith.truncf %get3A_4 : vector<128x1024xf32> to vector<128x1024xbf16>
    "tpu.region"() ({
      %run_scoped3A = memref.alloca() : memref<4x1x1x128xf32, #tpu.memory_space<vmem>>
      %run_scoped3A_5 = tpu.sem_alloc : memref<4x!tpu.dma_semaphore, #tpu.memory_space<semaphore_mem>>
      %run_scoped3A_6 = memref.alloca() : memref<4x1x1024x1024xf32, #tpu.memory_space<vmem>>
      %run_scoped3A_7 = tpu.sem_alloc : memref<4x!tpu.dma_semaphore, #tpu.memory_space<semaphore_mem>>
      %run_scoped3A_8 = memref.alloca() : memref<4x1x512x1024xf32, #tpu.memory_space<vmem>>
      %run_scoped3A_9 = tpu.sem_alloc : memref<4x!tpu.dma_semaphore, #tpu.memory_space<semaphore_mem>>
      %select_n3A = arith.constant true
      %select_n3A_10 = arith.constant 0 : i32
      %select_n3A_11 = arith.constant -1 : i32
      %select_n3A_12 = arith.select %select_n3A, %select_n3A_11, %select_n3A_10 : i32
      %eq3A = arith.constant -1 : i32
      %eq3A_13 = arith.cmpi eq, %select_n3A_12, %eq3A : i32
      %select_n3A_14 = arith.constant 15 : i32
      %select_n3A_15 = arith.select %eq3A_13, %select_n3A_14, %select_n3A_12 : i32
      %add3A = arith.constant 0 : i32
      %add3A_16 = arith.addi %select_n3A_15, %add3A : i32
      %select_n3A_17 = arith.constant true
      %select_n3A_18 = arith.constant 0 : i32
      %select_n3A_19 = arith.constant 1 : i32
      %select_n3A_20 = arith.select %select_n3A_17, %select_n3A_19, %select_n3A_18 : i32
      %eq3A_21 = arith.constant 16 : i32
      %eq3A_22 = arith.cmpi eq, %select_n3A_20, %eq3A_21 : i32
      %select_n3A_23 = arith.constant 0 : i32
      %select_n3A_24 = arith.select %eq3A_22, %select_n3A_23, %select_n3A_20 : i32
      %add3A_25 = arith.constant 0 : i32
      %add3A_26 = arith.addi %select_n3A_24, %add3A_25 : i32
      %add3A_27 = arith.constant 1 : i32
      %add3A_28 = arith.addi %select_n3A_24, %add3A_27 : i32
      %select_n3A_29 = arith.constant true
      %select_n3A_30 = arith.select %select_n3A_29, %add3A_28, %select_n3A_24 : i32
      %eq3A_31 = arith.constant 16 : i32
      %eq3A_32 = arith.cmpi eq, %select_n3A_30, %eq3A_31 : i32
      %select_n3A_33 = arith.constant 0 : i32
      %select_n3A_34 = arith.select %eq3A_32, %select_n3A_33, %select_n3A_30 : i32
      %add3A_35 = arith.constant 0 : i32
      %add3A_36 = arith.addi %select_n3A_34, %add3A_35 : i32
      %add3A_37 = arith.constant 1 : i32
      %add3A_38 = arith.addi %select_n3A_34, %add3A_37 : i32
      %select_n3A_39 = arith.constant true
      %select_n3A_40 = arith.select %select_n3A_39, %add3A_38, %select_n3A_34 : i32
      %eq3A_41 = arith.constant 16 : i32
      %eq3A_42 = arith.cmpi eq, %select_n3A_40, %eq3A_41 : i32
      %select_n3A_43 = arith.constant 0 : i32
      %select_n3A_44 = arith.select %eq3A_42, %select_n3A_43, %select_n3A_40 : i32
      %add3A_45 = arith.constant 0 : i32
      %add3A_46 = arith.addi %select_n3A_44, %add3A_45 : i32
      %add3A_47 = arith.constant 1 : i32
      %add3A_48 = arith.addi %select_n3A_44, %add3A_47 : i32
      %select_n3A_49 = arith.constant true
      %select_n3A_50 = arith.select %select_n3A_49, %add3A_48, %select_n3A_44 : i32
      %eq3A_51 = arith.constant 16 : i32
      %eq3A_52 = arith.cmpi eq, %select_n3A_50, %eq3A_51 : i32
      %select_n3A_53 = arith.constant 0 : i32
      %select_n3A_54 = arith.select %eq3A_52, %select_n3A_53, %select_n3A_50 : i32
      %add3A_55 = arith.constant 0 : i32
      %add3A_56 = arith.addi %select_n3A_54, %add3A_55 : i32
      "tpu.trace_start"() <{level = 10 : i32, message = "ep_initialize_0"}> : () -> ()
      %rem3A = arith.constant 0 : i32
      %rem3A_57 = arith.constant 4 : i32
      %rem3A_58 = arith.remui %rem3A, %rem3A_57 : i32
      %dma_start3A = tpu.memref_slice %run_scoped3A_5[%rem3A_58] : memref<4x!tpu.dma_semaphore, #tpu.memory_space<semaphore_mem>> -> memref<1x!tpu.dma_semaphore, #tpu.memory_space<semaphore_mem>>
      %dma_start3A_59 = tpu.memref_squeeze %dma_start3A : memref<1x!tpu.dma_semaphore, #tpu.memory_space<semaphore_mem>> -> memref<!tpu.dma_semaphore, #tpu.memory_space<semaphore_mem>>
      %dma_start3A_60 = arith.constant 0 : i32
      %dma_start3A_61 = arith.constant 0 : i32
      %dma_start3A_62 = arith.constant 0 : i32
      %dma_start3A_63 = tpu.memref_slice %run_scoped3A[%rem3A_58, %dma_start3A_60, %dma_start3A_61, %dma_start3A_62] : memref<4x1x1x128xf32, #tpu.memory_space<vmem>> -> memref<1x1x1x128xf32, #tpu.memory_space<vmem>>
      %dma_start3A_64 = tpu.memref_squeeze %dma_start3A_63 : memref<1x1x1x128xf32, #tpu.memory_space<vmem>> -> memref<1x1x128xf32, #tpu.memory_space<vmem>>
      %dma_start3A_65 = arith.constant 0 : i32
      %dma_start3A_66 = arith.constant 0 : i32
      %dma_start3A_67 = arith.constant 0 : i32
      %dma_start3A_68 = tpu.memref_slice %arg1[%dma_start3A_65, %dma_start3A_66, %dma_start3A_67] : memref<16x1x128xf32, #tpu.memory_space<hbm>> -> memref<1x1x128xf32, #tpu.memory_space<hbm>>
      tpu.enqueue_dma source(%dma_start3A_68 : memref<1x1x128xf32, #tpu.memory_space<hbm>>) target(%dma_start3A_64 : memref<1x1x128xf32, #tpu.memory_space<vmem>>) target_semaphore(%dma_start3A_59 : memref<!tpu.dma_semaphore, #tpu.memory_space<semaphore_mem>>)
      %add3A_69 = arith.constant 0 : i32
      %add3A_70 = arith.constant 1 : i32
      %add3A_71 = arith.addi %add3A_69, %add3A_70 : i32
      %select_n3A_72 = arith.constant true
      %select_n3A_73 = arith.constant 0 : i32
      %select_n3A_74 = arith.select %select_n3A_72, %add3A_71, %select_n3A_73 : i32
      %rem3A_75 = arith.constant 0 : i32
      %rem3A_76 = arith.constant 4 : i32
      %rem3A_77 = arith.remui %rem3A_75, %rem3A_76 : i32
      %dma_start3A_78 = tpu.memref_slice %run_scoped3A_7[%rem3A_77] : memref<4x!tpu.dma_semaphore, #tpu.memory_space<semaphore_mem>> -> memref<1x!tpu.dma_semaphore, #tpu.memory_space<semaphore_mem>>
      %dma_start3A_79 = tpu.memref_squeeze %dma_start3A_78 : memref<1x!tpu.dma_semaphore, #tpu.memory_space<semaphore_mem>> -> memref<!tpu.dma_semaphore, #tpu.memory_space<semaphore_mem>>
      %dma_start3A_80 = arith.constant 0 : i32
      %dma_start3A_81 = arith.constant 0 : i32
      %dma_start3A_82 = arith.constant 0 : i32
      %dma_start3A_83 = tpu.memref_slice %run_scoped3A_6[%rem3A_77, %dma_start3A_80, %dma_start3A_81, %dma_start3A_82] : memref<4x1x1024x1024xf32, #tpu.memory_space<vmem>> -> memref<1x1x1024x1024xf32, #tpu.memory_space<vmem>>
      %dma_start3A_84 = tpu.memref_squeeze %dma_start3A_83 : memref<1x1x1024x1024xf32, #tpu.memory_space<vmem>> -> memref<1x1024x1024xf32, #tpu.memory_space<vmem>>
      %dma_start3A_85 = arith.constant 0 : i32
      %dma_start3A_86 = arith.constant 0 : i32
      %dma_start3A_87 = arith.constant 0 : i32
      %dma_start3A_88 = tpu.memref_slice %arg2[%dma_start3A_85, %dma_start3A_86, %dma_start3A_87] : memref<16x1024x1024xf32, #tpu.memory_space<hbm>> -> memref<1x1024x1024xf32, #tpu.memory_space<hbm>>
      tpu.enqueue_dma source(%dma_start3A_88 : memref<1x1024x1024xf32, #tpu.memory_space<hbm>>) target(%dma_start3A_84 : memref<1x1024x1024xf32, #tpu.memory_space<vmem>>) target_semaphore(%dma_start3A_79 : memref<!tpu.dma_semaphore, #tpu.memory_space<semaphore_mem>>)
      %add3A_89 = arith.constant 0 : i32
      %add3A_90 = arith.constant 1 : i32
      %add3A_91 = arith.addi %add3A_89, %add3A_90 : i32
      %select_n3A_92 = arith.constant true
      %select_n3A_93 = arith.constant 0 : i32
      %select_n3A_94 = arith.select %select_n3A_92, %add3A_91, %select_n3A_93 : i32
      %rem3A_95 = arith.constant 0 : i32
      %rem3A_96 = arith.constant 4 : i32
      %rem3A_97 = arith.remui %rem3A_95, %rem3A_96 : i32
      %dma_start3A_98 = tpu.memref_slice %run_scoped3A_9[%rem3A_97] : memref<4x!tpu.dma_semaphore, #tpu.memory_space<semaphore_mem>> -> memref<1x!tpu.dma_semaphore, #tpu.memory_space<semaphore_mem>>
      %dma_start3A_99 = tpu.memref_squeeze %dma_start3A_98 : memref<1x!tpu.dma_semaphore, #tpu.memory_space<semaphore_mem>> -> memref<!tpu.dma_semaphore, #tpu.memory_space<semaphore_mem>>
      %dma_start3A_100 = arith.constant 0 : i32
      %dma_start3A_101 = arith.constant 0 : i32
      %dma_start3A_102 = arith.constant 0 : i32
      %dma_start3A_103 = tpu.memref_slice %run_scoped3A_8[%rem3A_97, %dma_start3A_100, %dma_start3A_101, %dma_start3A_102] : memref<4x1x512x1024xf32, #tpu.memory_space<vmem>> -> memref<1x1x512x1024xf32, #tpu.memory_space<vmem>>
      %dma_start3A_104 = tpu.memref_squeeze %dma_start3A_103 : memref<1x1x512x1024xf32, #tpu.memory_space<vmem>> -> memref<1x512x1024xf32, #tpu.memory_space<vmem>>
      %dma_start3A_105 = arith.constant 0 : i32
      %dma_start3A_106 = arith.constant 0 : i32
      %dma_start3A_107 = arith.constant 0 : i32
      %dma_start3A_108 = tpu.memref_slice %arg3[%dma_start3A_105, %dma_start3A_106, %dma_start3A_107] : memref<16x512x1024xf32, #tpu.memory_space<hbm>> -> memref<1x512x1024xf32, #tpu.memory_space<hbm>>
      tpu.enqueue_dma source(%dma_start3A_108 : memref<1x512x1024xf32, #tpu.memory_space<hbm>>) target(%dma_start3A_104 : memref<1x512x1024xf32, #tpu.memory_space<vmem>>) target_semaphore(%dma_start3A_99 : memref<!tpu.dma_semaphore, #tpu.memory_space<semaphore_mem>>)
      %add3A_109 = arith.constant 0 : i32
      %add3A_110 = arith.constant 1 : i32
      %add3A_111 = arith.addi %add3A_109, %add3A_110 : i32
      %select_n3A_112 = arith.constant true
      %select_n3A_113 = arith.constant 0 : i32
      %select_n3A_114 = arith.select %select_n3A_112, %add3A_111, %select_n3A_113 : i32
      %ne3A = arith.constant 0 : i32
      "tpu.trace_stop"() : () -> ()
      "tpu.trace_start"() <{level = 10 : i32, message = "ep_initialize_1"}> : () -> ()
      %ne3A_115 = arith.cmpi ne, %add3A_26, %ne3A : i32
      %or3A = arith.constant false
      %or3A_116 = arith.ori %or3A, %ne3A_115 : i1
      %or3A_117 = arith.constant false
      %or3A_118 = arith.ori %or3A_116, %or3A_117 : i1
      %or3A_119 = arith.constant false
      %or3A_120 = arith.ori %or3A_118, %or3A_119 : i1
      %and3A = arith.constant true
      %and3A_121 = arith.andi %and3A, %or3A_120 : i1
      %convert_element_type3A_122 = arith.extui %and3A_121 : i1 to i32
      %cond3A = arith.constant 0 : i32
      %cond3A_123 = arith.cmpi ne, %convert_element_type3A_122, %cond3A : i32
      scf.if %cond3A_123 {
        %rem3A_272 = arith.constant 4 : i32
        %rem3A_273 = arith.remui %select_n3A_74, %rem3A_272 : i32
        %mul3A = arith.constant 1 : i32
        %mul3A_274 = arith.muli %mul3A, %add3A_26 : i32
        %dma_start3A_275 = tpu.memref_slice %run_scoped3A_5[%rem3A_273] : memref<4x!tpu.dma_semaphore, #tpu.memory_space<semaphore_mem>> -> memref<1x!tpu.dma_semaphore, #tpu.memory_space<semaphore_mem>>
        %dma_start3A_276 = tpu.memref_squeeze %dma_start3A_275 : memref<1x!tpu.dma_semaphore, #tpu.memory_space<semaphore_mem>> -> memref<!tpu.dma_semaphore, #tpu.memory_space<semaphore_mem>>
        %dma_start3A_277 = arith.constant 0 : i32
        %dma_start3A_278 = arith.constant 0 : i32
        %dma_start3A_279 = arith.constant 0 : i32
        %dma_start3A_280 = tpu.memref_slice %run_scoped3A[%rem3A_273, %dma_start3A_277, %dma_start3A_278, %dma_start3A_279] : memref<4x1x1x128xf32, #tpu.memory_space<vmem>> -> memref<1x1x1x128xf32, #tpu.memory_space<vmem>>
        %dma_start3A_281 = tpu.memref_squeeze %dma_start3A_280 : memref<1x1x1x128xf32, #tpu.memory_space<vmem>> -> memref<1x1x128xf32, #tpu.memory_space<vmem>>
        %dma_start3A_282 = arith.constant 0 : i32
        %dma_start3A_283 = arith.constant 0 : i32
        %dma_start3A_284 = tpu.memref_slice %arg1[%mul3A_274, %dma_start3A_282, %dma_start3A_283] : memref<16x1x128xf32, #tpu.memory_space<hbm>> -> memref<1x1x128xf32, #tpu.memory_space<hbm>>
        tpu.enqueue_dma source(%dma_start3A_284 : memref<1x1x128xf32, #tpu.memory_space<hbm>>) target(%dma_start3A_281 : memref<1x1x128xf32, #tpu.memory_space<vmem>>) target_semaphore(%dma_start3A_276 : memref<!tpu.dma_semaphore, #tpu.memory_space<semaphore_mem>>)
      } else {
      }
      %add3A_124 = arith.constant 1 : i32
      %add3A_125 = arith.addi %select_n3A_74, %add3A_124 : i32
      %select_n3A_126 = arith.select %and3A_121, %add3A_125, %select_n3A_74 : i32
      %ne3A_127 = arith.constant 0 : i32
      %ne3A_128 = arith.cmpi ne, %add3A_26, %ne3A_127 : i32
      %or3A_129 = arith.constant false
      %or3A_130 = arith.ori %or3A_129, %ne3A_128 : i1
      %or3A_131 = arith.constant false
      %or3A_132 = arith.ori %or3A_130, %or3A_131 : i1
      %or3A_133 = arith.constant false
      %or3A_134 = arith.ori %or3A_132, %or3A_133 : i1
      %and3A_135 = arith.constant true
      %and3A_136 = arith.andi %and3A_135, %or3A_134 : i1
      %convert_element_type3A_137 = arith.extui %and3A_136 : i1 to i32
      %cond3A_138 = arith.constant 0 : i32
      %cond3A_139 = arith.cmpi ne, %convert_element_type3A_137, %cond3A_138 : i32
      scf.if %cond3A_139 {
        %rem3A_272 = arith.constant 4 : i32
        %rem3A_273 = arith.remui %select_n3A_94, %rem3A_272 : i32
        %mul3A = arith.constant 1 : i32
        %mul3A_274 = arith.muli %mul3A, %add3A_26 : i32
        %dma_start3A_275 = tpu.memref_slice %run_scoped3A_7[%rem3A_273] : memref<4x!tpu.dma_semaphore, #tpu.memory_space<semaphore_mem>> -> memref<1x!tpu.dma_semaphore, #tpu.memory_space<semaphore_mem>>
        %dma_start3A_276 = tpu.memref_squeeze %dma_start3A_275 : memref<1x!tpu.dma_semaphore, #tpu.memory_space<semaphore_mem>> -> memref<!tpu.dma_semaphore, #tpu.memory_space<semaphore_mem>>
        %dma_start3A_277 = arith.constant 0 : i32
        %dma_start3A_278 = arith.constant 0 : i32
        %dma_start3A_279 = arith.constant 0 : i32
        %dma_start3A_280 = tpu.memref_slice %run_scoped3A_6[%rem3A_273, %dma_start3A_277, %dma_start3A_278, %dma_start3A_279] : memref<4x1x1024x1024xf32, #tpu.memory_space<vmem>> -> memref<1x1x1024x1024xf32, #tpu.memory_space<vmem>>
        %dma_start3A_281 = tpu.memref_squeeze %dma_start3A_280 : memref<1x1x1024x1024xf32, #tpu.memory_space<vmem>> -> memref<1x1024x1024xf32, #tpu.memory_space<vmem>>
        %dma_start3A_282 = arith.constant 0 : i32
        %dma_start3A_283 = arith.constant 0 : i32
        %dma_start3A_284 = tpu.memref_slice %arg2[%mul3A_274, %dma_start3A_282, %dma_start3A_283] : memref<16x1024x1024xf32, #tpu.memory_space<hbm>> -> memref<1x1024x1024xf32, #tpu.memory_space<hbm>>
        tpu.enqueue_dma source(%dma_start3A_284 : memref<1x1024x1024xf32, #tpu.memory_space<hbm>>) target(%dma_start3A_281 : memref<1x1024x1024xf32, #tpu.memory_space<vmem>>) target_semaphore(%dma_start3A_276 : memref<!tpu.dma_semaphore, #tpu.memory_space<semaphore_mem>>)
      } else {
      }
      %add3A_140 = arith.constant 1 : i32
      %add3A_141 = arith.addi %select_n3A_94, %add3A_140 : i32
      %select_n3A_142 = arith.select %and3A_136, %add3A_141, %select_n3A_94 : i32
      %ne3A_143 = arith.constant 0 : i32
      %ne3A_144 = arith.cmpi ne, %add3A_26, %ne3A_143 : i32
      %or3A_145 = arith.constant false
      %or3A_146 = arith.ori %or3A_145, %ne3A_144 : i1
      %or3A_147 = arith.constant false
      %or3A_148 = arith.ori %or3A_146, %or3A_147 : i1
      %or3A_149 = arith.constant false
      %or3A_150 = arith.ori %or3A_148, %or3A_149 : i1
      %and3A_151 = arith.constant true
      %and3A_152 = arith.andi %and3A_151, %or3A_150 : i1
      %convert_element_type3A_153 = arith.extui %and3A_152 : i1 to i32
      %cond3A_154 = arith.constant 0 : i32
      %cond3A_155 = arith.cmpi ne, %convert_element_type3A_153, %cond3A_154 : i32
      scf.if %cond3A_155 {
        %rem3A_272 = arith.constant 4 : i32
        %rem3A_273 = arith.remui %select_n3A_114, %rem3A_272 : i32
        %mul3A = arith.constant 1 : i32
        %mul3A_274 = arith.muli %mul3A, %add3A_26 : i32
        %dma_start3A_275 = tpu.memref_slice %run_scoped3A_9[%rem3A_273] : memref<4x!tpu.dma_semaphore, #tpu.memory_space<semaphore_mem>> -> memref<1x!tpu.dma_semaphore, #tpu.memory_space<semaphore_mem>>
        %dma_start3A_276 = tpu.memref_squeeze %dma_start3A_275 : memref<1x!tpu.dma_semaphore, #tpu.memory_space<semaphore_mem>> -> memref<!tpu.dma_semaphore, #tpu.memory_space<semaphore_mem>>
        %dma_start3A_277 = arith.constant 0 : i32
        %dma_start3A_278 = arith.constant 0 : i32
        %dma_start3A_279 = arith.constant 0 : i32
        %dma_start3A_280 = tpu.memref_slice %run_scoped3A_8[%rem3A_273, %dma_start3A_277, %dma_start3A_278, %dma_start3A_279] : memref<4x1x512x1024xf32, #tpu.memory_space<vmem>> -> memref<1x1x512x1024xf32, #tpu.memory_space<vmem>>
        %dma_start3A_281 = tpu.memref_squeeze %dma_start3A_280 : memref<1x1x512x1024xf32, #tpu.memory_space<vmem>> -> memref<1x512x1024xf32, #tpu.memory_space<vmem>>
        %dma_start3A_282 = arith.constant 0 : i32
        %dma_start3A_283 = arith.constant 0 : i32
        %dma_start3A_284 = tpu.memref_slice %arg3[%mul3A_274, %dma_start3A_282, %dma_start3A_283] : memref<16x512x1024xf32, #tpu.memory_space<hbm>> -> memref<1x512x1024xf32, #tpu.memory_space<hbm>>
        tpu.enqueue_dma source(%dma_start3A_284 : memref<1x512x1024xf32, #tpu.memory_space<hbm>>) target(%dma_start3A_281 : memref<1x512x1024xf32, #tpu.memory_space<vmem>>) target_semaphore(%dma_start3A_276 : memref<!tpu.dma_semaphore, #tpu.memory_space<semaphore_mem>>)
      } else {
      }
      %add3A_156 = arith.constant 1 : i32
      %add3A_157 = arith.addi %select_n3A_114, %add3A_156 : i32
      %select_n3A_158 = arith.select %and3A_152, %add3A_157, %select_n3A_114 : i32
      "tpu.trace_stop"() : () -> ()
      "tpu.trace_start"() <{level = 10 : i32, message = "ep_initialize_2"}> : () -> ()
      %ne3A_159 = arith.cmpi ne, %add3A_36, %add3A_26 : i32
      %or3A_160 = arith.constant false
      %or3A_161 = arith.ori %or3A_160, %ne3A_159 : i1
      %or3A_162 = arith.constant false
      %or3A_163 = arith.ori %or3A_161, %or3A_162 : i1
      %or3A_164 = arith.constant false
      %or3A_165 = arith.ori %or3A_163, %or3A_164 : i1
      %and3A_166 = arith.constant true
      %and3A_167 = arith.andi %and3A_166, %or3A_165 : i1
      %convert_element_type3A_168 = arith.extui %and3A_167 : i1 to i32
      %cond3A_169 = arith.constant 0 : i32
      %cond3A_170 = arith.cmpi ne, %convert_element_type3A_168, %cond3A_169 : i32
      scf.if %cond3A_170 {
        %rem3A_272 = arith.constant 4 : i32
        %rem3A_273 = arith.remui %select_n3A_126, %rem3A_272 : i32
        %mul3A = arith.constant 1 : i32
        %mul3A_274 = arith.muli %mul3A, %add3A_36 : i32
        %dma_start3A_275 = tpu.memref_slice %run_scoped3A_5[%rem3A_273] : memref<4x!tpu.dma_semaphore, #tpu.memory_space<semaphore_mem>> -> memref<1x!tpu.dma_semaphore, #tpu.memory_space<semaphore_mem>>
        %dma_start3A_276 = tpu.memref_squeeze %dma_start3A_275 : memref<1x!tpu.dma_semaphore, #tpu.memory_space<semaphore_mem>> -> memref<!tpu.dma_semaphore, #tpu.memory_space<semaphore_mem>>
        %dma_start3A_277 = arith.constant 0 : i32
        %dma_start3A_278 = arith.constant 0 : i32
        %dma_start3A_279 = arith.constant 0 : i32
        %dma_start3A_280 = tpu.memref_slice %run_scoped3A[%rem3A_273, %dma_start3A_277, %dma_start3A_278, %dma_start3A_279] : memref<4x1x1x128xf32, #tpu.memory_space<vmem>> -> memref<1x1x1x128xf32, #tpu.memory_space<vmem>>
        %dma_start3A_281 = tpu.memref_squeeze %dma_start3A_280 : memref<1x1x1x128xf32, #tpu.memory_space<vmem>> -> memref<1x1x128xf32, #tpu.memory_space<vmem>>
        %dma_start3A_282 = arith.constant 0 : i32
        %dma_start3A_283 = arith.constant 0 : i32
        %dma_start3A_284 = tpu.memref_slice %arg1[%mul3A_274, %dma_start3A_282, %dma_start3A_283] : memref<16x1x128xf32, #tpu.memory_space<hbm>> -> memref<1x1x128xf32, #tpu.memory_space<hbm>>
        tpu.enqueue_dma source(%dma_start3A_284 : memref<1x1x128xf32, #tpu.memory_space<hbm>>) target(%dma_start3A_281 : memref<1x1x128xf32, #tpu.memory_space<vmem>>) target_semaphore(%dma_start3A_276 : memref<!tpu.dma_semaphore, #tpu.memory_space<semaphore_mem>>)
      } else {
      }
      %add3A_171 = arith.constant 1 : i32
      %add3A_172 = arith.addi %select_n3A_126, %add3A_171 : i32
      %select_n3A_173 = arith.select %and3A_167, %add3A_172, %select_n3A_126 : i32
      %ne3A_174 = arith.cmpi ne, %add3A_36, %add3A_26 : i32
      %or3A_175 = arith.constant false
      %or3A_176 = arith.ori %or3A_175, %ne3A_174 : i1
      %or3A_177 = arith.constant false
      %or3A_178 = arith.ori %or3A_176, %or3A_177 : i1
      %or3A_179 = arith.constant false
      %or3A_180 = arith.ori %or3A_178, %or3A_179 : i1
      %and3A_181 = arith.constant true
      %and3A_182 = arith.andi %and3A_181, %or3A_180 : i1
      %convert_element_type3A_183 = arith.extui %and3A_182 : i1 to i32
      %cond3A_184 = arith.constant 0 : i32
      %cond3A_185 = arith.cmpi ne, %convert_element_type3A_183, %cond3A_184 : i32
      scf.if %cond3A_185 {
        %rem3A_272 = arith.constant 4 : i32
        %rem3A_273 = arith.remui %select_n3A_142, %rem3A_272 : i32
        %mul3A = arith.constant 1 : i32
        %mul3A_274 = arith.muli %mul3A, %add3A_36 : i32
        %dma_start3A_275 = tpu.memref_slice %run_scoped3A_7[%rem3A_273] : memref<4x!tpu.dma_semaphore, #tpu.memory_space<semaphore_mem>> -> memref<1x!tpu.dma_semaphore, #tpu.memory_space<semaphore_mem>>
        %dma_start3A_276 = tpu.memref_squeeze %dma_start3A_275 : memref<1x!tpu.dma_semaphore, #tpu.memory_space<semaphore_mem>> -> memref<!tpu.dma_semaphore, #tpu.memory_space<semaphore_mem>>
        %dma_start3A_277 = arith.constant 0 : i32
        %dma_start3A_278 = arith.constant 0 : i32
        %dma_start3A_279 = arith.constant 0 : i32
        %dma_start3A_280 = tpu.memref_slice %run_scoped3A_6[%rem3A_273, %dma_start3A_277, %dma_start3A_278, %dma_start3A_279] : memref<4x1x1024x1024xf32, #tpu.memory_space<vmem>> -> memref<1x1x1024x1024xf32, #tpu.memory_space<vmem>>
        %dma_start3A_281 = tpu.memref_squeeze %dma_start3A_280 : memref<1x1x1024x1024xf32, #tpu.memory_space<vmem>> -> memref<1x1024x1024xf32, #tpu.memory_space<vmem>>
        %dma_start3A_282 = arith.constant 0 : i32
        %dma_start3A_283 = arith.constant 0 : i32
        %dma_start3A_284 = tpu.memref_slice %arg2[%mul3A_274, %dma_start3A_282, %dma_start3A_283] : memref<16x1024x1024xf32, #tpu.memory_space<hbm>> -> memref<1x1024x1024xf32, #tpu.memory_space<hbm>>
        tpu.enqueue_dma source(%dma_start3A_284 : memref<1x1024x1024xf32, #tpu.memory_space<hbm>>) target(%dma_start3A_281 : memref<1x1024x1024xf32, #tpu.memory_space<vmem>>) target_semaphore(%dma_start3A_276 : memref<!tpu.dma_semaphore, #tpu.memory_space<semaphore_mem>>)
      } else {
      }
      %add3A_186 = arith.constant 1 : i32
      %add3A_187 = arith.addi %select_n3A_142, %add3A_186 : i32
      %select_n3A_188 = arith.select %and3A_182, %add3A_187, %select_n3A_142 : i32
      %ne3A_189 = arith.cmpi ne, %add3A_36, %add3A_26 : i32
      %or3A_190 = arith.constant false
      %or3A_191 = arith.ori %or3A_190, %ne3A_189 : i1
      %or3A_192 = arith.constant false
      %or3A_193 = arith.ori %or3A_191, %or3A_192 : i1
      %or3A_194 = arith.constant false
      %or3A_195 = arith.ori %or3A_193, %or3A_194 : i1
      %and3A_196 = arith.constant true
      %and3A_197 = arith.andi %and3A_196, %or3A_195 : i1
      %convert_element_type3A_198 = arith.extui %and3A_197 : i1 to i32
      %cond3A_199 = arith.constant 0 : i32
      %cond3A_200 = arith.cmpi ne, %convert_element_type3A_198, %cond3A_199 : i32
      scf.if %cond3A_200 {
        %rem3A_272 = arith.constant 4 : i32
        %rem3A_273 = arith.remui %select_n3A_158, %rem3A_272 : i32
        %mul3A = arith.constant 1 : i32
        %mul3A_274 = arith.muli %mul3A, %add3A_36 : i32
        %dma_start3A_275 = tpu.memref_slice %run_scoped3A_9[%rem3A_273] : memref<4x!tpu.dma_semaphore, #tpu.memory_space<semaphore_mem>> -> memref<1x!tpu.dma_semaphore, #tpu.memory_space<semaphore_mem>>
        %dma_start3A_276 = tpu.memref_squeeze %dma_start3A_275 : memref<1x!tpu.dma_semaphore, #tpu.memory_space<semaphore_mem>> -> memref<!tpu.dma_semaphore, #tpu.memory_space<semaphore_mem>>
        %dma_start3A_277 = arith.constant 0 : i32
        %dma_start3A_278 = arith.constant 0 : i32
        %dma_start3A_279 = arith.constant 0 : i32
        %dma_start3A_280 = tpu.memref_slice %run_scoped3A_8[%rem3A_273, %dma_start3A_277, %dma_start3A_278, %dma_start3A_279] : memref<4x1x512x1024xf32, #tpu.memory_space<vmem>> -> memref<1x1x512x1024xf32, #tpu.memory_space<vmem>>
        %dma_start3A_281 = tpu.memref_squeeze %dma_start3A_280 : memref<1x1x512x1024xf32, #tpu.memory_space<vmem>> -> memref<1x512x1024xf32, #tpu.memory_space<vmem>>
        %dma_start3A_282 = arith.constant 0 : i32
        %dma_start3A_283 = arith.constant 0 : i32
        %dma_start3A_284 = tpu.memref_slice %arg3[%mul3A_274, %dma_start3A_282, %dma_start3A_283] : memref<16x512x1024xf32, #tpu.memory_space<hbm>> -> memref<1x512x1024xf32, #tpu.memory_space<hbm>>
        tpu.enqueue_dma source(%dma_start3A_284 : memref<1x512x1024xf32, #tpu.memory_space<hbm>>) target(%dma_start3A_281 : memref<1x512x1024xf32, #tpu.memory_space<vmem>>) target_semaphore(%dma_start3A_276 : memref<!tpu.dma_semaphore, #tpu.memory_space<semaphore_mem>>)
      } else {
      }
      %add3A_201 = arith.constant 1 : i32
      %add3A_202 = arith.addi %select_n3A_158, %add3A_201 : i32
      %select_n3A_203 = arith.select %and3A_197, %add3A_202, %select_n3A_158 : i32
      "tpu.trace_stop"() : () -> ()
      %scan3A = arith.constant 0 : i32
      %scan3A_204 = arith.constant 0 : i32
      %scan3A_205 = arith.constant 0 : i32
      %scan3A_206 = arith.constant 0 : i32
      %scan3A_207 = arith.constant 0 : i32
      %scan3A_208 = arith.constant 16 : i32
      %scan3A_209 = arith.addi %scan3A_207, %scan3A_208 : i32
      %scan3A_210 = arith.constant 1 : i32
      %scan3A_211:7 = scf.for %scan3A_272 = %scan3A_207 to %scan3A_209 step %scan3A_210 iter_args(%scan3A_273 = %select_n3A_173, %scan3A_274 = %scan3A, %scan3A_275 = %select_n3A_188, %scan3A_276 = %scan3A_204, %scan3A_277 = %select_n3A_203, %scan3A_278 = %scan3A_205, %scan3A_279 = %scan3A_206) -> (i32, i32, i32, i32, i32, i32, i32)  : i32 {
        %eq3A_280 = arith.constant 0 : i32
        %eq3A_281 = arith.cmpi eq, %scan3A_272, %eq3A_280 : i32
        %eq3A_282 = arith.constant 15 : i32
        %eq3A_283 = arith.cmpi eq, %scan3A_272, %eq3A_282 : i32
        %add3A_284 = arith.constant 0 : i32
        %add3A_285 = arith.addi %scan3A_279, %add3A_284 : i32
        %sub3A_286 = arith.constant 1 : i32
        %sub3A_287 = arith.subi %scan3A_279, %sub3A_286 : i32
        %select_n3A_288 = arith.constant true
        %select_n3A_289 = arith.select %select_n3A_288, %sub3A_287, %scan3A_279 : i32
        %eq3A_290 = arith.constant -1 : i32
        %eq3A_291 = arith.cmpi eq, %select_n3A_289, %eq3A_290 : i32
        %select_n3A_292 = arith.constant 15 : i32
        %select_n3A_293 = arith.select %eq3A_291, %select_n3A_292, %select_n3A_289 : i32
        %add3A_294 = arith.constant 0 : i32
        %add3A_295 = arith.addi %select_n3A_293, %add3A_294 : i32
        %add3A_296 = arith.constant 1 : i32
        %add3A_297 = arith.addi %scan3A_279, %add3A_296 : i32
        %select_n3A_298 = arith.constant true
        %select_n3A_299 = arith.select %select_n3A_298, %add3A_297, %scan3A_279 : i32
        %eq3A_300 = arith.constant 16 : i32
        %eq3A_301 = arith.cmpi eq, %select_n3A_299, %eq3A_300 : i32
        %select_n3A_302 = arith.constant 0 : i32
        %select_n3A_303 = arith.select %eq3A_301, %select_n3A_302, %select_n3A_299 : i32
        %add3A_304 = arith.constant 0 : i32
        %add3A_305 = arith.addi %select_n3A_303, %add3A_304 : i32
        %add3A_306 = arith.constant 1 : i32
        %add3A_307 = arith.addi %select_n3A_303, %add3A_306 : i32
        %select_n3A_308 = arith.constant true
        %select_n3A_309 = arith.select %select_n3A_308, %add3A_307, %select_n3A_303 : i32
        %eq3A_310 = arith.constant 16 : i32
        %eq3A_311 = arith.cmpi eq, %select_n3A_309, %eq3A_310 : i32
        %select_n3A_312 = arith.constant 0 : i32
        %select_n3A_313 = arith.select %eq3A_311, %select_n3A_312, %select_n3A_309 : i32
        %add3A_314 = arith.constant 0 : i32
        %add3A_315 = arith.addi %select_n3A_313, %add3A_314 : i32
        %add3A_316 = arith.constant 1 : i32
        %add3A_317 = arith.addi %select_n3A_313, %add3A_316 : i32
        %select_n3A_318 = arith.constant true
        %select_n3A_319 = arith.select %select_n3A_318, %add3A_317, %select_n3A_313 : i32
        %eq3A_320 = arith.constant 16 : i32
        %eq3A_321 = arith.cmpi eq, %select_n3A_319, %eq3A_320 : i32
        %select_n3A_322 = arith.constant 0 : i32
        %select_n3A_323 = arith.select %eq3A_321, %select_n3A_322, %select_n3A_319 : i32
        %add3A_324 = arith.constant 0 : i32
        %add3A_325 = arith.addi %select_n3A_323, %add3A_324 : i32
        %add3A_326 = arith.constant 1 : i32
        %add3A_327 = arith.addi %select_n3A_323, %add3A_326 : i32
        %select_n3A_328 = arith.constant true
        %select_n3A_329 = arith.select %select_n3A_328, %add3A_327, %select_n3A_323 : i32
        %eq3A_330 = arith.constant 16 : i32
        %eq3A_331 = arith.cmpi eq, %select_n3A_329, %eq3A_330 : i32
        %select_n3A_332 = arith.constant 0 : i32
        %select_n3A_333 = arith.select %eq3A_331, %select_n3A_332, %select_n3A_329 : i32
        %add3A_334 = arith.constant 0 : i32
        %add3A_335 = arith.addi %select_n3A_333, %add3A_334 : i32
        %ne3A_336 = arith.cmpi ne, %add3A_315, %add3A_325 : i32
        %or3A_337 = arith.constant false
        %or3A_338 = arith.ori %or3A_337, %ne3A_336 : i1
        %or3A_339 = arith.constant false
        %or3A_340 = arith.ori %or3A_338, %or3A_339 : i1
        %or3A_341 = arith.constant false
        %or3A_342 = arith.ori %or3A_340, %or3A_341 : i1
        %ge3A = arith.constant 13 : i32
        %ge3A_343 = arith.cmpi sge, %scan3A_272, %ge3A : i32
        %not3A = arith.constant true
        %not3A_344 = arith.xori %ge3A_343, %not3A : i1
        %and3A_345 = arith.andi %or3A_342, %not3A_344 : i1
        %convert_element_type3A_346 = arith.extui %and3A_345 : i1 to i32
        %cond3A_347 = arith.constant 0 : i32
        %cond3A_348 = arith.cmpi ne, %convert_element_type3A_346, %cond3A_347 : i32
        scf.if %cond3A_348 {
          "tpu.trace_start"() <{level = 10 : i32, message = "ep_copy_in"}> : () -> ()
          %rem3A_611 = arith.constant 4 : i32
          %rem3A_612 = arith.remui %scan3A_273, %rem3A_611 : i32
          %mul3A_613 = arith.constant 1 : i32
          %mul3A_614 = arith.muli %mul3A_613, %add3A_325 : i32
          %dma_start3A_615 = tpu.memref_slice %run_scoped3A_5[%rem3A_612] : memref<4x!tpu.dma_semaphore, #tpu.memory_space<semaphore_mem>> -> memref<1x!tpu.dma_semaphore, #tpu.memory_space<semaphore_mem>>
          %dma_start3A_616 = tpu.memref_squeeze %dma_start3A_615 : memref<1x!tpu.dma_semaphore, #tpu.memory_space<semaphore_mem>> -> memref<!tpu.dma_semaphore, #tpu.memory_space<semaphore_mem>>
          %dma_start3A_617 = arith.constant 0 : i32
          %dma_start3A_618 = arith.constant 0 : i32
          %dma_start3A_619 = arith.constant 0 : i32
          %dma_start3A_620 = tpu.memref_slice %run_scoped3A[%rem3A_612, %dma_start3A_617, %dma_start3A_618, %dma_start3A_619] : memref<4x1x1x128xf32, #tpu.memory_space<vmem>> -> memref<1x1x1x128xf32, #tpu.memory_space<vmem>>
          %dma_start3A_621 = tpu.memref_squeeze %dma_start3A_620 : memref<1x1x1x128xf32, #tpu.memory_space<vmem>> -> memref<1x1x128xf32, #tpu.memory_space<vmem>>
          %dma_start3A_622 = arith.constant 0 : i32
          %dma_start3A_623 = arith.constant 0 : i32
          %dma_start3A_624 = tpu.memref_slice %arg1[%mul3A_614, %dma_start3A_622, %dma_start3A_623] : memref<16x1x128xf32, #tpu.memory_space<hbm>> -> memref<1x1x128xf32, #tpu.memory_space<hbm>>
          tpu.enqueue_dma source(%dma_start3A_624 : memref<1x1x128xf32, #tpu.memory_space<hbm>>) target(%dma_start3A_621 : memref<1x1x128xf32, #tpu.memory_space<vmem>>) target_semaphore(%dma_start3A_616 : memref<!tpu.dma_semaphore, #tpu.memory_space<semaphore_mem>>)
          "tpu.trace_stop"() : () -> ()
        } else {
        }
        %and3A_349 = arith.constant true
        %and3A_350 = arith.andi %and3A_345, %and3A_349 : i1
        %add3A_351 = arith.constant 1 : i32
        %add3A_352 = arith.addi %scan3A_273, %add3A_351 : i32
        %select_n3A_353 = arith.select %and3A_350, %add3A_352, %scan3A_273 : i32
        %ne3A_354 = arith.cmpi ne, %add3A_315, %add3A_325 : i32
        %or3A_355 = arith.constant false
        %or3A_356 = arith.ori %or3A_355, %ne3A_354 : i1
        %or3A_357 = arith.constant false
        %or3A_358 = arith.ori %or3A_356, %or3A_357 : i1
        %or3A_359 = arith.constant false
        %or3A_360 = arith.ori %or3A_358, %or3A_359 : i1
        %ge3A_361 = arith.constant 13 : i32
        %ge3A_362 = arith.cmpi sge, %scan3A_272, %ge3A_361 : i32
        %not3A_363 = arith.constant true
        %not3A_364 = arith.xori %ge3A_362, %not3A_363 : i1
        %and3A_365 = arith.andi %or3A_360, %not3A_364 : i1
        %convert_element_type3A_366 = arith.extui %and3A_365 : i1 to i32
        %cond3A_367 = arith.constant 0 : i32
        %cond3A_368 = arith.cmpi ne, %convert_element_type3A_366, %cond3A_367 : i32
        scf.if %cond3A_368 {
          "tpu.trace_start"() <{level = 10 : i32, message = "ep_copy_in"}> : () -> ()
          %rem3A_611 = arith.constant 4 : i32
          %rem3A_612 = arith.remui %scan3A_275, %rem3A_611 : i32
          %mul3A_613 = arith.constant 1 : i32
          %mul3A_614 = arith.muli %mul3A_613, %add3A_325 : i32
          %dma_start3A_615 = tpu.memref_slice %run_scoped3A_7[%rem3A_612] : memref<4x!tpu.dma_semaphore, #tpu.memory_space<semaphore_mem>> -> memref<1x!tpu.dma_semaphore, #tpu.memory_space<semaphore_mem>>
          %dma_start3A_616 = tpu.memref_squeeze %dma_start3A_615 : memref<1x!tpu.dma_semaphore, #tpu.memory_space<semaphore_mem>> -> memref<!tpu.dma_semaphore, #tpu.memory_space<semaphore_mem>>
          %dma_start3A_617 = arith.constant 0 : i32
          %dma_start3A_618 = arith.constant 0 : i32
          %dma_start3A_619 = arith.constant 0 : i32
          %dma_start3A_620 = tpu.memref_slice %run_scoped3A_6[%rem3A_612, %dma_start3A_617, %dma_start3A_618, %dma_start3A_619] : memref<4x1x1024x1024xf32, #tpu.memory_space<vmem>> -> memref<1x1x1024x1024xf32, #tpu.memory_space<vmem>>
          %dma_start3A_621 = tpu.memref_squeeze %dma_start3A_620 : memref<1x1x1024x1024xf32, #tpu.memory_space<vmem>> -> memref<1x1024x1024xf32, #tpu.memory_space<vmem>>
          %dma_start3A_622 = arith.constant 0 : i32
          %dma_start3A_623 = arith.constant 0 : i32
          %dma_start3A_624 = tpu.memref_slice %arg2[%mul3A_614, %dma_start3A_622, %dma_start3A_623] : memref<16x1024x1024xf32, #tpu.memory_space<hbm>> -> memref<1x1024x1024xf32, #tpu.memory_space<hbm>>
          tpu.enqueue_dma source(%dma_start3A_624 : memref<1x1024x1024xf32, #tpu.memory_space<hbm>>) target(%dma_start3A_621 : memref<1x1024x1024xf32, #tpu.memory_space<vmem>>) target_semaphore(%dma_start3A_616 : memref<!tpu.dma_semaphore, #tpu.memory_space<semaphore_mem>>)
          "tpu.trace_stop"() : () -> ()
        } else {
        }
        %and3A_369 = arith.constant true
        %and3A_370 = arith.andi %and3A_365, %and3A_369 : i1
        %add3A_371 = arith.constant 1 : i32
        %add3A_372 = arith.addi %scan3A_275, %add3A_371 : i32
        %select_n3A_373 = arith.select %and3A_370, %add3A_372, %scan3A_275 : i32
        %ne3A_374 = arith.cmpi ne, %add3A_315, %add3A_325 : i32
        %or3A_375 = arith.constant false
        %or3A_376 = arith.ori %or3A_375, %ne3A_374 : i1
        %or3A_377 = arith.constant false
        %or3A_378 = arith.ori %or3A_376, %or3A_377 : i1
        %or3A_379 = arith.constant false
        %or3A_380 = arith.ori %or3A_378, %or3A_379 : i1
        %ge3A_381 = arith.constant 13 : i32
        %ge3A_382 = arith.cmpi sge, %scan3A_272, %ge3A_381 : i32
        %not3A_383 = arith.constant true
        %not3A_384 = arith.xori %ge3A_382, %not3A_383 : i1
        %and3A_385 = arith.andi %or3A_380, %not3A_384 : i1
        %convert_element_type3A_386 = arith.extui %and3A_385 : i1 to i32
        %cond3A_387 = arith.constant 0 : i32
        %cond3A_388 = arith.cmpi ne, %convert_element_type3A_386, %cond3A_387 : i32
        scf.if %cond3A_388 {
          "tpu.trace_start"() <{level = 10 : i32, message = "ep_copy_in"}> : () -> ()
          %rem3A_611 = arith.constant 4 : i32
          %rem3A_612 = arith.remui %scan3A_277, %rem3A_611 : i32
          %mul3A_613 = arith.constant 1 : i32
          %mul3A_614 = arith.muli %mul3A_613, %add3A_325 : i32
          %dma_start3A_615 = tpu.memref_slice %run_scoped3A_9[%rem3A_612] : memref<4x!tpu.dma_semaphore, #tpu.memory_space<semaphore_mem>> -> memref<1x!tpu.dma_semaphore, #tpu.memory_space<semaphore_mem>>
          %dma_start3A_616 = tpu.memref_squeeze %dma_start3A_615 : memref<1x!tpu.dma_semaphore, #tpu.memory_space<semaphore_mem>> -> memref<!tpu.dma_semaphore, #tpu.memory_space<semaphore_mem>>
          %dma_start3A_617 = arith.constant 0 : i32
          %dma_start3A_618 = arith.constant 0 : i32
          %dma_start3A_619 = arith.constant 0 : i32
          %dma_start3A_620 = tpu.memref_slice %run_scoped3A_8[%rem3A_612, %dma_start3A_617, %dma_start3A_618, %dma_start3A_619] : memref<4x1x512x1024xf32, #tpu.memory_space<vmem>> -> memref<1x1x512x1024xf32, #tpu.memory_space<vmem>>
          %dma_start3A_621 = tpu.memref_squeeze %dma_start3A_620 : memref<1x1x512x1024xf32, #tpu.memory_space<vmem>> -> memref<1x512x1024xf32, #tpu.memory_space<vmem>>
          %dma_start3A_622 = arith.constant 0 : i32
          %dma_start3A_623 = arith.constant 0 : i32
          %dma_start3A_624 = tpu.memref_slice %arg3[%mul3A_614, %dma_start3A_622, %dma_start3A_623] : memref<16x512x1024xf32, #tpu.memory_space<hbm>> -> memref<1x512x1024xf32, #tpu.memory_space<hbm>>
          tpu.enqueue_dma source(%dma_start3A_624 : memref<1x512x1024xf32, #tpu.memory_space<hbm>>) target(%dma_start3A_621 : memref<1x512x1024xf32, #tpu.memory_space<vmem>>) target_semaphore(%dma_start3A_616 : memref<!tpu.dma_semaphore, #tpu.memory_space<semaphore_mem>>)
          "tpu.trace_stop"() : () -> ()
        } else {
        }
        %and3A_389 = arith.constant true
        %and3A_390 = arith.andi %and3A_385, %and3A_389 : i1
        %add3A_391 = arith.constant 1 : i32
        %add3A_392 = arith.addi %scan3A_277, %add3A_391 : i32
        %select_n3A_393 = arith.select %and3A_390, %add3A_392, %scan3A_277 : i32
        %ne3A_394 = arith.cmpi ne, %add3A_285, %add3A_295 : i32
        %or3A_395 = arith.constant false
        %or3A_396 = arith.ori %or3A_395, %ne3A_394 : i1
        %or3A_397 = arith.constant false
        %or3A_398 = arith.ori %or3A_396, %or3A_397 : i1
        %or3A_399 = arith.constant false
        %or3A_400 = arith.ori %or3A_398, %or3A_399 : i1
        %or3A_401 = arith.ori %or3A_400, %eq3A_281 : i1
        %convert_element_type3A_402 = arith.extui %or3A_401 : i1 to i32
        %cond3A_403 = arith.constant 0 : i32
        %cond3A_404 = arith.cmpi ne, %convert_element_type3A_402, %cond3A_403 : i32
        scf.if %cond3A_404 {
          "tpu.trace_start"() <{level = 10 : i32, message = "ep_wait_in"}> : () -> ()
          %mul3A_611 = arith.constant 1 : i32
          %mul3A_612 = arith.muli %mul3A_611, %add3A_285 : i32
          %rem3A_613 = arith.constant 4 : i32
          %rem3A_614 = arith.remui %scan3A_274, %rem3A_613 : i32
          %dma_wait3A = tpu.memref_slice %run_scoped3A_5[%rem3A_614] : memref<4x!tpu.dma_semaphore, #tpu.memory_space<semaphore_mem>> -> memref<1x!tpu.dma_semaphore, #tpu.memory_space<semaphore_mem>>
          %dma_wait3A_615 = tpu.memref_squeeze %dma_wait3A : memref<1x!tpu.dma_semaphore, #tpu.memory_space<semaphore_mem>> -> memref<!tpu.dma_semaphore, #tpu.memory_space<semaphore_mem>>
          %dma_wait3A_616 = arith.constant 0 : i32
          %dma_wait3A_617 = arith.constant 0 : i32
          %dma_wait3A_618 = arith.constant 0 : i32
          %dma_wait3A_619 = tpu.memref_slice %run_scoped3A[%rem3A_614, %dma_wait3A_616, %dma_wait3A_617, %dma_wait3A_618] : memref<4x1x1x128xf32, #tpu.memory_space<vmem>> -> memref<1x1x1x128xf32, #tpu.memory_space<vmem>>
          %dma_wait3A_620 = tpu.memref_squeeze %dma_wait3A_619 : memref<1x1x1x128xf32, #tpu.memory_space<vmem>> -> memref<1x1x128xf32, #tpu.memory_space<vmem>>
          %dma_wait3A_621 = arith.constant 0 : i32
          %dma_wait3A_622 = arith.constant 0 : i32
          %dma_wait3A_623 = tpu.memref_slice %arg1[%mul3A_612, %dma_wait3A_621, %dma_wait3A_622] : memref<16x1x128xf32, #tpu.memory_space<hbm>> -> memref<1x1x128xf32, #tpu.memory_space<hbm>>
          tpu.wait_dma2 semaphore(%dma_wait3A_615 : memref<!tpu.dma_semaphore, #tpu.memory_space<semaphore_mem>>) src(%dma_wait3A_623 : memref<1x1x128xf32, #tpu.memory_space<hbm>>) dst(%dma_wait3A_620 : memref<1x1x128xf32, #tpu.memory_space<vmem>>)
          "tpu.trace_stop"() : () -> ()
        } else {
        }
        %ne3A_405 = arith.cmpi ne, %add3A_285, %add3A_295 : i32
        %or3A_406 = arith.constant false
        %or3A_407 = arith.ori %or3A_406, %ne3A_405 : i1
        %or3A_408 = arith.constant false
        %or3A_409 = arith.ori %or3A_407, %or3A_408 : i1
        %or3A_410 = arith.constant false
        %or3A_411 = arith.ori %or3A_409, %or3A_410 : i1
        %or3A_412 = arith.ori %or3A_411, %eq3A_281 : i1
        %convert_element_type3A_413 = arith.extui %or3A_412 : i1 to i32
        %cond3A_414 = arith.constant 0 : i32
        %cond3A_415 = arith.cmpi ne, %convert_element_type3A_413, %cond3A_414 : i32
        scf.if %cond3A_415 {
          "tpu.trace_start"() <{level = 10 : i32, message = "ep_wait_in"}> : () -> ()
          %mul3A_611 = arith.constant 1 : i32
          %mul3A_612 = arith.muli %mul3A_611, %add3A_285 : i32
          %rem3A_613 = arith.constant 4 : i32
          %rem3A_614 = arith.remui %scan3A_276, %rem3A_613 : i32
          %dma_wait3A = tpu.memref_slice %run_scoped3A_7[%rem3A_614] : memref<4x!tpu.dma_semaphore, #tpu.memory_space<semaphore_mem>> -> memref<1x!tpu.dma_semaphore, #tpu.memory_space<semaphore_mem>>
          %dma_wait3A_615 = tpu.memref_squeeze %dma_wait3A : memref<1x!tpu.dma_semaphore, #tpu.memory_space<semaphore_mem>> -> memref<!tpu.dma_semaphore, #tpu.memory_space<semaphore_mem>>
          %dma_wait3A_616 = arith.constant 0 : i32
          %dma_wait3A_617 = arith.constant 0 : i32
          %dma_wait3A_618 = arith.constant 0 : i32
          %dma_wait3A_619 = tpu.memref_slice %run_scoped3A_6[%rem3A_614, %dma_wait3A_616, %dma_wait3A_617, %dma_wait3A_618] : memref<4x1x1024x1024xf32, #tpu.memory_space<vmem>> -> memref<1x1x1024x1024xf32, #tpu.memory_space<vmem>>
          %dma_wait3A_620 = tpu.memref_squeeze %dma_wait3A_619 : memref<1x1x1024x1024xf32, #tpu.memory_space<vmem>> -> memref<1x1024x1024xf32, #tpu.memory_space<vmem>>
          %dma_wait3A_621 = arith.constant 0 : i32
          %dma_wait3A_622 = arith.constant 0 : i32
          %dma_wait3A_623 = tpu.memref_slice %arg2[%mul3A_612, %dma_wait3A_621, %dma_wait3A_622] : memref<16x1024x1024xf32, #tpu.memory_space<hbm>> -> memref<1x1024x1024xf32, #tpu.memory_space<hbm>>
          tpu.wait_dma2 semaphore(%dma_wait3A_615 : memref<!tpu.dma_semaphore, #tpu.memory_space<semaphore_mem>>) src(%dma_wait3A_623 : memref<1x1024x1024xf32, #tpu.memory_space<hbm>>) dst(%dma_wait3A_620 : memref<1x1024x1024xf32, #tpu.memory_space<vmem>>)
          "tpu.trace_stop"() : () -> ()
        } else {
        }
        %ne3A_416 = arith.cmpi ne, %add3A_285, %add3A_295 : i32
        %or3A_417 = arith.constant false
        %or3A_418 = arith.ori %or3A_417, %ne3A_416 : i1
        %or3A_419 = arith.constant false
        %or3A_420 = arith.ori %or3A_418, %or3A_419 : i1
        %or3A_421 = arith.constant false
        %or3A_422 = arith.ori %or3A_420, %or3A_421 : i1
        %or3A_423 = arith.ori %or3A_422, %eq3A_281 : i1
        %convert_element_type3A_424 = arith.extui %or3A_423 : i1 to i32
        %cond3A_425 = arith.constant 0 : i32
        %cond3A_426 = arith.cmpi ne, %convert_element_type3A_424, %cond3A_425 : i32
        scf.if %cond3A_426 {
          "tpu.trace_start"() <{level = 10 : i32, message = "ep_wait_in"}> : () -> ()
          %mul3A_611 = arith.constant 1 : i32
          %mul3A_612 = arith.muli %mul3A_611, %add3A_285 : i32
          %rem3A_613 = arith.constant 4 : i32
          %rem3A_614 = arith.remui %scan3A_278, %rem3A_613 : i32
          %dma_wait3A = tpu.memref_slice %run_scoped3A_9[%rem3A_614] : memref<4x!tpu.dma_semaphore, #tpu.memory_space<semaphore_mem>> -> memref<1x!tpu.dma_semaphore, #tpu.memory_space<semaphore_mem>>
          %dma_wait3A_615 = tpu.memref_squeeze %dma_wait3A : memref<1x!tpu.dma_semaphore, #tpu.memory_space<semaphore_mem>> -> memref<!tpu.dma_semaphore, #tpu.memory_space<semaphore_mem>>
          %dma_wait3A_616 = arith.constant 0 : i32
          %dma_wait3A_617 = arith.constant 0 : i32
          %dma_wait3A_618 = arith.constant 0 : i32
          %dma_wait3A_619 = tpu.memref_slice %run_scoped3A_8[%rem3A_614, %dma_wait3A_616, %dma_wait3A_617, %dma_wait3A_618] : memref<4x1x512x1024xf32, #tpu.memory_space<vmem>> -> memref<1x1x512x1024xf32, #tpu.memory_space<vmem>>
          %dma_wait3A_620 = tpu.memref_squeeze %dma_wait3A_619 : memref<1x1x512x1024xf32, #tpu.memory_space<vmem>> -> memref<1x512x1024xf32, #tpu.memory_space<vmem>>
          %dma_wait3A_621 = arith.constant 0 : i32
          %dma_wait3A_622 = arith.constant 0 : i32
          %dma_wait3A_623 = tpu.memref_slice %arg3[%mul3A_612, %dma_wait3A_621, %dma_wait3A_622] : memref<16x512x1024xf32, #tpu.memory_space<hbm>> -> memref<1x512x1024xf32, #tpu.memory_space<hbm>>
          tpu.wait_dma2 semaphore(%dma_wait3A_615 : memref<!tpu.dma_semaphore, #tpu.memory_space<semaphore_mem>>) src(%dma_wait3A_623 : memref<1x512x1024xf32, #tpu.memory_space<hbm>>) dst(%dma_wait3A_620 : memref<1x512x1024xf32, #tpu.memory_space<vmem>>)
          "tpu.trace_stop"() : () -> ()
        } else {
        }
        %rem3A_427 = arith.constant 4 : i32
        %rem3A_428 = arith.remui %scan3A_274, %rem3A_427 : i32
        %rem3A_429 = arith.constant 4 : i32
        %rem3A_430 = arith.remui %scan3A_276, %rem3A_429 : i32
        %rem3A_431 = arith.constant 4 : i32
        %rem3A_432 = arith.remui %scan3A_278, %rem3A_431 : i32
        "tpu.trace_start"() <{level = 10 : i32, message = "ep_run_kernel"}> : () -> ()
        %get3A_433 = arith.constant 0 : i32
        %get3A_434 = arith.constant 0 : i32
        %get3A_435 = arith.constant 0 : i32
        %get3A_436 = tpu.memref_slice %run_scoped3A_6[%rem3A_430, %get3A_433, %get3A_434, %get3A_435] : memref<4x1x1024x1024xf32, #tpu.memory_space<vmem>> -> memref<1x1x1024x1024xf32, #tpu.memory_space<vmem>>
        %get3A_437 = tpu.memref_squeeze %get3A_436 : memref<1x1x1024x1024xf32, #tpu.memory_space<vmem>> -> memref<1x1024x1024xf32, #tpu.memory_space<vmem>>
        %get3A_438 = arith.constant 0 : index
        %get3A_439 = arith.constant 0 : index
        %get3A_440 = arith.constant 0 : index
        %get3A_441 = vector.load %get3A_437[%get3A_438, %get3A_439, %get3A_440] : memref<1x1024x1024xf32, #tpu.memory_space<vmem>>, vector<1x1024x1024xf32>
        %get3A_442 = vector.shape_cast %get3A_441 : vector<1x1024x1024xf32> to vector<1024x1024xf32>
        %convert_element_type3A_443 = arith.truncf %get3A_442 : vector<1024x1024xf32> to vector<1024x1024xbf16>
        %dot_general3A = arith.constant dense<0.000000e+00> : vector<128x1024xf32>
        %dot_general3A_444 = tpu.matmul %convert_element_type3A, %convert_element_type3A_443, %dot_general3A {dimension_numbers = #tpu.dot_dimension_numbers<[1], [0], [0], [1], [0, 0, 1, 1], [], []>, transpose_lhs_hint = false} : vector<128x1024xbf16>, vector<1024x1024xbf16>, vector<128x1024xf32> -> vector<128x1024xf32>
        %slice3A = vector.extract_strided_slice %dot_general3A_444 {offsets = [0, 0], sizes = [128, 512], strides = [1, 1]} : vector<128x1024xf32> to vector<128x512xf32>
        %slice3A_445 = vector.extract_strided_slice %dot_general3A_444 {offsets = [0, 512], sizes = [128, 512], strides = [1, 1]} : vector<128x1024xf32> to vector<128x512xf32>
        %logistic3A = arith.negf %slice3A : vector<128x512xf32>
        %logistic3A_446 = math.exp %logistic3A : vector<128x512xf32>
        %logistic3A_447 = arith.constant 1.000000e+00 : f32
        %logistic3A_448 = vector.broadcast %logistic3A_447 : f32 to vector<128x512xf32>
        %logistic3A_449 = arith.addf %logistic3A_448, %logistic3A_446 : vector<128x512xf32>
        %logistic3A_450 = arith.divf %logistic3A_448, %logistic3A_449 : vector<128x512xf32>
        %mul3A = arith.mulf %slice3A, %logistic3A_450 : vector<128x512xf32>
        %mul3A_451 = arith.mulf %mul3A, %slice3A_445 : vector<128x512xf32>
        %get3A_452 = arith.constant 0 : i32
        %get3A_453 = arith.constant 0 : i32
        %get3A_454 = arith.constant 0 : i32
        %get3A_455 = tpu.memref_slice %run_scoped3A[%rem3A_428, %get3A_452, %get3A_453, %get3A_454] : memref<4x1x1x128xf32, #tpu.memory_space<vmem>> -> memref<1x1x1x128xf32, #tpu.memory_space<vmem>>
        %get3A_456 = tpu.memref_squeeze %get3A_455 : memref<1x1x1x128xf32, #tpu.memory_space<vmem>> -> memref<1x1x128xf32, #tpu.memory_space<vmem>>
        %get3A_457 = arith.constant 0 : index
        %get3A_458 = arith.constant 0 : index
        %get3A_459 = arith.constant 0 : index
        %get3A_460 = vector.load %get3A_456[%get3A_457, %get3A_458, %get3A_459] : memref<1x1x128xf32, #tpu.memory_space<vmem>>, vector<1x1x128xf32>
        %get3A_461 = vector.shape_cast %get3A_460 : vector<1x1x128xf32> to vector<128xf32>
        %broadcast_in_dim3A_462 = vector.shape_cast %get3A_461 : vector<128xf32> to vector<128x1xf32>
        %mul3A_463 = vector.broadcast %broadcast_in_dim3A_462 : vector<128x1xf32> to vector<128x512xf32>
        %mul3A_464 = arith.mulf %mul3A_451, %mul3A_463 : vector<128x512xf32>
        %convert_element_type3A_465 = arith.truncf %mul3A_464 : vector<128x512xf32> to vector<128x512xbf16>
        %get3A_466 = arith.constant 0 : i32
        %get3A_467 = arith.constant 0 : i32
        %get3A_468 = arith.constant 0 : i32
        %get3A_469 = tpu.memref_slice %run_scoped3A_8[%rem3A_432, %get3A_466, %get3A_467, %get3A_468] : memref<4x1x512x1024xf32, #tpu.memory_space<vmem>> -> memref<1x1x512x1024xf32, #tpu.memory_space<vmem>>
        %get3A_470 = tpu.memref_squeeze %get3A_469 : memref<1x1x512x1024xf32, #tpu.memory_space<vmem>> -> memref<1x512x1024xf32, #tpu.memory_space<vmem>>
        %get3A_471 = arith.constant 0 : index
        %get3A_472 = arith.constant 0 : index
        %get3A_473 = arith.constant 0 : index
        %get3A_474 = vector.load %get3A_470[%get3A_471, %get3A_472, %get3A_473] : memref<1x512x1024xf32, #tpu.memory_space<vmem>>, vector<1x512x1024xf32>
        %get3A_475 = vector.shape_cast %get3A_474 : vector<1x512x1024xf32> to vector<512x1024xf32>
        %convert_element_type3A_476 = arith.truncf %get3A_475 : vector<512x1024xf32> to vector<512x1024xbf16>
        %dot_general3A_477 = arith.constant dense<0.000000e+00> : vector<128x1024xf32>
        %dot_general3A_478 = tpu.matmul %convert_element_type3A_465, %convert_element_type3A_476, %dot_general3A_477 {dimension_numbers = #tpu.dot_dimension_numbers<[1], [0], [0], [1], [0, 0, 1, 1], [], []>, transpose_lhs_hint = false} : vector<128x512xbf16>, vector<512x1024xbf16>, vector<128x1024xf32> -> vector<128x1024xf32>
        %get3A_479 = arith.constant 0 : index
        %get3A_480 = arith.constant 0 : index
        %get3A_481 = vector.load %arg4[%get3A_479, %get3A_480] : memref<128x1024xf32, #tpu.memory_space<vmem>>, vector<128x1024xf32>
        %add3A_482 = arith.addf %get3A_481, %dot_general3A_478 : vector<128x1024xf32>
        %swap3A_483 = arith.constant 0 : index
        %swap3A_484 = arith.constant 0 : index
        %swap3A_485 = vector.load %arg4[%swap3A_483, %swap3A_484] : memref<128x1024xf32, #tpu.memory_space<vmem>>, vector<128x1024xf32>
        tpu.vector_store %arg4[%swap3A_483, %swap3A_484], %add3A_482 {strides = array<i32>} : memref<128x1024xf32, #tpu.memory_space<vmem>>, vector<128x1024xf32>,
        "tpu.trace_stop"() : () -> ()
        %ne3A_486 = arith.cmpi ne, %add3A_285, %add3A_305 : i32
        %or3A_487 = arith.constant false
        %or3A_488 = arith.ori %or3A_487, %ne3A_486 : i1
        %or3A_489 = arith.constant false
        %or3A_490 = arith.ori %or3A_488, %or3A_489 : i1
        %or3A_491 = arith.constant false
        %or3A_492 = arith.ori %or3A_490, %or3A_491 : i1
        %or3A_493 = arith.ori %or3A_492, %eq3A_283 : i1
        %convert_element_type3A_494 = arith.extui %or3A_493 : i1 to i32
        %cond3A_495 = arith.constant 0 : i32
        %cond3A_496 = arith.cmpi ne, %convert_element_type3A_494, %cond3A_495 : i32
        scf.if %cond3A_496 {
        } else {
        }
        %and3A_497 = arith.constant false
        %and3A_498 = arith.andi %or3A_493, %and3A_497 : i1
        %ne3A_499 = arith.cmpi ne, %add3A_285, %add3A_305 : i32
        %or3A_500 = arith.constant false
        %or3A_501 = arith.ori %or3A_500, %ne3A_499 : i1
        %or3A_502 = arith.constant false
        %or3A_503 = arith.ori %or3A_501, %or3A_502 : i1
        %or3A_504 = arith.constant false
        %or3A_505 = arith.ori %or3A_503, %or3A_504 : i1
        %or3A_506 = arith.ori %or3A_505, %eq3A_283 : i1
        %convert_element_type3A_507 = arith.extui %or3A_506 : i1 to i32
        %cond3A_508 = arith.constant 0 : i32
        %cond3A_509 = arith.cmpi ne, %convert_element_type3A_507, %cond3A_508 : i32
        scf.if %cond3A_509 {
        } else {
        }
        %and3A_510 = arith.constant false
        %and3A_511 = arith.andi %or3A_506, %and3A_510 : i1
        %ne3A_512 = arith.cmpi ne, %add3A_285, %add3A_305 : i32
        %or3A_513 = arith.constant false
        %or3A_514 = arith.ori %or3A_513, %ne3A_512 : i1
        %or3A_515 = arith.constant false
        %or3A_516 = arith.ori %or3A_514, %or3A_515 : i1
        %or3A_517 = arith.constant false
        %or3A_518 = arith.ori %or3A_516, %or3A_517 : i1
        %or3A_519 = arith.ori %or3A_518, %eq3A_283 : i1
        %convert_element_type3A_520 = arith.extui %or3A_519 : i1 to i32
        %cond3A_521 = arith.constant 0 : i32
        %cond3A_522 = arith.cmpi ne, %convert_element_type3A_520, %cond3A_521 : i32
        scf.if %cond3A_522 {
        } else {
        }
        %and3A_523 = arith.constant false
        %and3A_524 = arith.andi %or3A_519, %and3A_523 : i1
        %ne3A_525 = arith.cmpi ne, %add3A_285, %add3A_295 : i32
        %or3A_526 = arith.constant false
        %or3A_527 = arith.ori %or3A_526, %ne3A_525 : i1
        %or3A_528 = arith.constant false
        %or3A_529 = arith.ori %or3A_527, %or3A_528 : i1
        %or3A_530 = arith.constant false
        %or3A_531 = arith.ori %or3A_529, %or3A_530 : i1
        %not3A_532 = arith.constant true
        %not3A_533 = arith.xori %eq3A_281, %not3A_532 : i1
        %and3A_534 = arith.andi %or3A_531, %not3A_533 : i1
        %convert_element_type3A_535 = arith.extui %and3A_534 : i1 to i32
        %cond3A_536 = arith.constant 0 : i32
        %cond3A_537 = arith.cmpi ne, %convert_element_type3A_535, %cond3A_536 : i32
        scf.if %cond3A_537 {
        } else {
        }
        %and3A_538 = arith.constant false
        %and3A_539 = arith.andi %and3A_534, %and3A_538 : i1
        %ne3A_540 = arith.cmpi ne, %add3A_285, %add3A_295 : i32
        %or3A_541 = arith.constant false
        %or3A_542 = arith.ori %or3A_541, %ne3A_540 : i1
        %or3A_543 = arith.constant false
        %or3A_544 = arith.ori %or3A_542, %or3A_543 : i1
        %or3A_545 = arith.constant false
        %or3A_546 = arith.ori %or3A_544, %or3A_545 : i1
        %not3A_547 = arith.constant true
        %not3A_548 = arith.xori %eq3A_281, %not3A_547 : i1
        %and3A_549 = arith.andi %or3A_546, %not3A_548 : i1
        %convert_element_type3A_550 = arith.extui %and3A_549 : i1 to i32
        %cond3A_551 = arith.constant 0 : i32
        %cond3A_552 = arith.cmpi ne, %convert_element_type3A_550, %cond3A_551 : i32
        scf.if %cond3A_552 {
        } else {
        }
        %and3A_553 = arith.constant false
        %and3A_554 = arith.andi %and3A_549, %and3A_553 : i1
        %ne3A_555 = arith.cmpi ne, %add3A_285, %add3A_295 : i32
        %or3A_556 = arith.constant false
        %or3A_557 = arith.ori %or3A_556, %ne3A_555 : i1
        %or3A_558 = arith.constant false
        %or3A_559 = arith.ori %or3A_557, %or3A_558 : i1
        %or3A_560 = arith.constant false
        %or3A_561 = arith.ori %or3A_559, %or3A_560 : i1
        %not3A_562 = arith.constant true
        %not3A_563 = arith.xori %eq3A_281, %not3A_562 : i1
        %and3A_564 = arith.andi %or3A_561, %not3A_563 : i1
        %convert_element_type3A_565 = arith.extui %and3A_564 : i1 to i32
        %cond3A_566 = arith.constant 0 : i32
        %cond3A_567 = arith.cmpi ne, %convert_element_type3A_565, %cond3A_566 : i32
        scf.if %cond3A_567 {
        } else {
        }
        %and3A_568 = arith.constant false
        %and3A_569 = arith.andi %and3A_564, %and3A_568 : i1
        %ne3A_570 = arith.cmpi ne, %add3A_285, %add3A_305 : i32
        %or3A_571 = arith.constant false
        %or3A_572 = arith.ori %or3A_571, %ne3A_570 : i1
        %or3A_573 = arith.constant false
        %or3A_574 = arith.ori %or3A_572, %or3A_573 : i1
        %or3A_575 = arith.constant false
        %or3A_576 = arith.ori %or3A_574, %or3A_575 : i1
        %or3A_577 = arith.ori %or3A_576, %eq3A_283 : i1
        %add3A_578 = arith.constant 1 : i32
        %add3A_579 = arith.addi %scan3A_274, %add3A_578 : i32
        %select_n3A_580 = arith.select %or3A_577, %add3A_579, %scan3A_274 : i32
        %ne3A_581 = arith.cmpi ne, %add3A_285, %add3A_305 : i32
        %or3A_582 = arith.constant false
        %or3A_583 = arith.ori %or3A_582, %ne3A_581 : i1
        %or3A_584 = arith.constant false
        %or3A_585 = arith.ori %or3A_583, %or3A_584 : i1
        %or3A_586 = arith.constant false
        %or3A_587 = arith.ori %or3A_585, %or3A_586 : i1
        %or3A_588 = arith.ori %or3A_587, %eq3A_283 : i1
        %add3A_589 = arith.constant 1 : i32
        %add3A_590 = arith.addi %scan3A_276, %add3A_589 : i32
        %select_n3A_591 = arith.select %or3A_588, %add3A_590, %scan3A_276 : i32
        %ne3A_592 = arith.cmpi ne, %add3A_285, %add3A_305 : i32
        %or3A_593 = arith.constant false
        %or3A_594 = arith.ori %or3A_593, %ne3A_592 : i1
        %or3A_595 = arith.constant false
        %or3A_596 = arith.ori %or3A_594, %or3A_595 : i1
        %or3A_597 = arith.constant false
        %or3A_598 = arith.ori %or3A_596, %or3A_597 : i1
        %or3A_599 = arith.ori %or3A_598, %eq3A_283 : i1
        %add3A_600 = arith.constant 1 : i32
        %add3A_601 = arith.addi %scan3A_278, %add3A_600 : i32
        %select_n3A_602 = arith.select %or3A_599, %add3A_601, %scan3A_278 : i32
        %add3A_603 = arith.constant 1 : i32
        %add3A_604 = arith.addi %scan3A_279, %add3A_603 : i32
        %select_n3A_605 = arith.constant true
        %select_n3A_606 = arith.select %select_n3A_605, %add3A_604, %scan3A_279 : i32
        %eq3A_607 = arith.constant 16 : i32
        %eq3A_608 = arith.cmpi eq, %select_n3A_606, %eq3A_607 : i32
        %select_n3A_609 = arith.constant 0 : i32
        %select_n3A_610 = arith.select %eq3A_608, %select_n3A_609, %select_n3A_606 : i32
        scf.yield %select_n3A_353, %select_n3A_580, %select_n3A_373, %select_n3A_591, %select_n3A_393, %select_n3A_602, %select_n3A_610 : i32, i32, i32, i32, i32, i32, i32
      }
      %scan3A_212 = arith.constant 16 : i32
      %sub3A = arith.constant 1 : i32
      %sub3A_213 = arith.subi %scan3A_211#6, %sub3A : i32
      %select_n3A_214 = arith.constant true
      %select_n3A_215 = arith.select %select_n3A_214, %sub3A_213, %scan3A_211#6 : i32
      %eq3A_216 = arith.constant -1 : i32
      %eq3A_217 = arith.cmpi eq, %select_n3A_215, %eq3A_216 : i32
      %select_n3A_218 = arith.constant 15 : i32
      %select_n3A_219 = arith.select %eq3A_217, %select_n3A_218, %select_n3A_215 : i32
      %add3A_220 = arith.constant 0 : i32
      %add3A_221 = arith.addi %select_n3A_219, %add3A_220 : i32
      %sub3A_222 = arith.constant 1 : i32
      %sub3A_223 = arith.subi %select_n3A_219, %sub3A_222 : i32
      %select_n3A_224 = arith.constant true
      %select_n3A_225 = arith.select %select_n3A_224, %sub3A_223, %select_n3A_219 : i32
      %eq3A_226 = arith.constant -1 : i32
      %eq3A_227 = arith.cmpi eq, %select_n3A_225, %eq3A_226 : i32
      %select_n3A_228 = arith.constant 15 : i32
      %select_n3A_229 = arith.select %eq3A_227, %select_n3A_228, %select_n3A_225 : i32
      %add3A_230 = arith.constant 0 : i32
      %add3A_231 = arith.addi %select_n3A_229, %add3A_230 : i32
      %add3A_232 = arith.constant 1 : i32
      %add3A_233 = arith.addi %select_n3A_219, %add3A_232 : i32
      %select_n3A_234 = arith.constant true
      %select_n3A_235 = arith.select %select_n3A_234, %add3A_233, %select_n3A_219 : i32
      %eq3A_236 = arith.constant 16 : i32
      %eq3A_237 = arith.cmpi eq, %select_n3A_235, %eq3A_236 : i32
      %select_n3A_238 = arith.constant 0 : i32
      %select_n3A_239 = arith.select %eq3A_237, %select_n3A_238, %select_n3A_235 : i32
      %add3A_240 = arith.constant 0 : i32
      %add3A_241 = arith.addi %select_n3A_239, %add3A_240 : i32
      %add3A_242 = arith.constant 1 : i32
      %add3A_243 = arith.addi %select_n3A_239, %add3A_242 : i32
      %select_n3A_244 = arith.constant true
      %select_n3A_245 = arith.select %select_n3A_244, %add3A_243, %select_n3A_239 : i32
      %eq3A_246 = arith.constant 16 : i32
      %eq3A_247 = arith.cmpi eq, %select_n3A_245, %eq3A_246 : i32
      %select_n3A_248 = arith.constant 0 : i32
      %select_n3A_249 = arith.select %eq3A_247, %select_n3A_248, %select_n3A_245 : i32
      %add3A_250 = arith.constant 0 : i32
      %add3A_251 = arith.addi %select_n3A_249, %add3A_250 : i32
      %add3A_252 = arith.constant 1 : i32
      %add3A_253 = arith.addi %select_n3A_249, %add3A_252 : i32
      %select_n3A_254 = arith.constant true
      %select_n3A_255 = arith.select %select_n3A_254, %add3A_253, %select_n3A_249 : i32
      %eq3A_256 = arith.constant 16 : i32
      %eq3A_257 = arith.cmpi eq, %select_n3A_255, %eq3A_256 : i32
      %select_n3A_258 = arith.constant 0 : i32
      %select_n3A_259 = arith.select %eq3A_257, %select_n3A_258, %select_n3A_255 : i32
      %add3A_260 = arith.constant 0 : i32
      %add3A_261 = arith.addi %select_n3A_259, %add3A_260 : i32
      %add3A_262 = arith.constant 1 : i32
      %add3A_263 = arith.addi %select_n3A_259, %add3A_262 : i32
      %select_n3A_264 = arith.constant true
      %select_n3A_265 = arith.select %select_n3A_264, %add3A_263, %select_n3A_259 : i32
      %eq3A_266 = arith.constant 16 : i32
      %eq3A_267 = arith.cmpi eq, %select_n3A_265, %eq3A_266 : i32
      %select_n3A_268 = arith.constant 0 : i32
      %select_n3A_269 = arith.select %eq3A_267, %select_n3A_268, %select_n3A_265 : i32
      %add3A_270 = arith.constant 0 : i32
      %add3A_271 = arith.addi %select_n3A_269, %add3A_270 : i32
      tpu.yield
    }) : () -> ()
    return
  }
}

</mosaic_0001>

<sc_bundles>
// kernel: kernel.4.cloned.1.call-start
scs
__scs_entry_jumppad:
0x0: {  	(pc) =	sbr.rel $0x88, $3  }
0x1: {  	(tag) =	ssettag $0x0;
	lr =	simm.s32 $0x1  }
0x2: {  	[smem:$0x3F9C] =	sst lr;
	_ =	strace $0xD0000000  }
0x3: {  	_ = 	snop  }
0x4: {  	_ = 	snop  }
0x5: {  	_ = 	snop  }
0x6: {  	_ = 	snop  }
0x7: {  	_ = 	snop  }
__scs_overlays_trampoline_lowered:
0x8: {  	[smem:$0x3FAB] =	sst s0  }
0x9: {  	[smem:$0x3FAC] =	sst s1  }
0xa: {  	[smem:$0x3FAD] =	sst s2  }
0xb: {  	[smem:$0x3FAE] =	sst s3  }
0xc: {  	[smem:$0x3FAF] =	sst s4  }
0xd: {  	[smem:$0x3FB0] =	sst s5  }
0xe: {  	[smem:$0x3FB1] =	sst s6  }
0xf: {  	[smem:$0x3FB2] =	sst s7  }
0x10: {  	[smem:$0x3FB3] =	sst s8  }
0x11: {  	[smem:$0x3FB4] =	sst s9;
	s0 =	simm.s32 @!p0 $0x0  }
0x12: {  	s1 =	sld [smem:$0x3F9A];
	s0 =	simm.s32 @p0 $0x1  }
0x13: {  	[smem:$0x3FB5] =	sst s0;
	s0 =	simm.s32 @!p1 $0x0  }
0x14: {  	s2 =	sld [smem:$0x3F99];
	s0 =	simm.s32 @p1 $0x1  }
0x15: {  	[smem:$0x3FB6] =	sst s0;
	s0 =	simm.s32 @!p2 $0x0  }
0x16: {  	s3 =	sld [smem:$0x3FDB];
	s0 =	simm.s32 @p2 $0x1  }
0x17: {  	s4 =	simm.s32 $0x1BF5;
	[smem:$0x3FB8] =	sst s0  }
0x18: {  	s0 =	sld [smem:$0x3F9B];
	_ =	swait.ge [sflag:s4], $0x0  }
0x19: {  	s7 =	sld [smem:$0x3F9C]  }
0x1a: {  	s8 =	sadd.s32 $0xFFFFE003, lr  }
0x1b: {  	s9 =	sadd.s32 $0xFFFFFEF7, lr;
	s5 =	simm.s32 $0xFFFFFFFF;
	p2 =	slt.u32 s8, $0xFFFFF086  }
0x1c: {  	p1 =	slt.u32 s9, $0xF7A;
	s5 =	simm.s32 @!p2 $0x0  }
0x1d: {  	s5 =	simm.s32 @p1 $0x1;
	p0 =	seq.s32 s7, s2  }
0x1e: {  	s7 =	smul.u32 @!p0 $0xF7A, s2;
	p2 =	seq.s32 @!p0 s5, $0x0  }
0x1f: {  	s9 =	smul.u32 $0xF7A, s1;
	s8 =	simm.s32 @!p0 $0x1BF5;
	p2 =	por !p2, p0  }
0x20: {  	[sflag:s8] =	ssyncset.s32 @!p0 $0xFFFFF086;
	s6 =	sadd.s32 @!p0 s3, s7;
	s7 =	simm.s32 @!p0 $0x108  }
0x21: {  	s3 =	sadd.s32 s3, s9;
	s6 =	sadd.s32 @!p0 $0x88, s6;
	s7 =	simm.s32 @p2 $0x1082  }
0x22: {  	[simem:s7], [sflag:s8] =	dma.local @!p0 [hbm:s6], $0xF7A  }
0x23: {  	s9 =	sor.u32 $0xD0000000, s2;
	s6 =	simm.s32 $0x108;
	_ =	swait.ge @!p0 [sflag:s8], $0x0  }
0x24: {  	s3 =	sadd.s32 $0x88, s3;
	s6 =	simm.s32 @!p1 $0x1082;
	[sflag:s4] =	ssyncset.s32 $0xFFFFF086  }
0x25: {  	[simem:s6], [sflag:s4] =	dma.local [hbm:s3], $0xF7A  }
0x26: {  	[smem:$0x3F9C] =	sst s1;
	(tag) =	ssettag s2;
	_ =	strace s9  }
0x27: {  	s1 =	sld [smem:$0x3FAC]  }
0x28: {  	s2 =	sld [smem:$0x3FAD]  }
0x29: {  	s4 =	sld [smem:$0x3FAF]  }
0x2a: {  	p0 =	seq.s32 s5, $0x0;
	s5 =	sld [smem:$0x3FB0]  }
0x2b: {  	s6 =	sld [smem:$0x3FB1]  }
0x2c: {  	s7 =	sld [smem:$0x3FB2]  }
0x2d: {  	s3 =	simm.s32 $0x108;
	s8 =	sld [smem:$0x3FB3]  }
0x2e: {  	s3 =	simm.s32 @!p0 $0x1082;
	s9 =	sld [smem:$0x3FB4]  }
0x2f: {  	lr =	sadd.s32 s0, s3;
	s0 =	sld [smem:$0x3FAB]  }
0x30: {  	s3 =	sld [smem:$0x3FAE]  }
0x31: {  	[smem:$0x3FB7] =	sst s10  }
0x32: {  	s10 =	sld [smem:$0x3FB5];
	_ =	sdelay $0x3  }
0x33: {  	p0 =	seq.s32 s10, $0x1;
	s10 =	sld [smem:$0x3FB7];
	_ =	sdelay $0x3  }
0x34: {  	[smem:$0x3FB7] =	sst s10  }
0x35: {  	s10 =	sld [smem:$0x3FB6];
	_ =	sdelay $0x3  }
0x36: {  	p1 =	seq.s32 s10, $0x1;
	s10 =	sld [smem:$0x3FB7];
	_ =	sdelay $0x3  }
0x37: {  	[smem:$0x3FB7] =	sst s10  }
0x38: {  	s10 =	sld [smem:$0x3FB8]  }
0x39: {  	_ = 	snop;
	(pc) =	sbr.ind lr, $3  }
0x3a: {  	_ = 	snop  }
0x3b: {  	_ = 	snop  }
0x3c: {  	p2 =	seq.s32 s10, $0x1;
	s10 =	sld [smem:$0x3FB7]  }
0x3d: {  	_ =	shalt  }
0x3e: {  	_ =	shalt  }
0x3f: {  	_ =	shalt  }
0x40: {  	_ =	shalt  }
0x41: {  	_ =	shalt  }
0x42: {  	_ =	shalt  }
0x43: {  	_ =	shalt  }
0x44: {  	_ =	shalt  }
0x45: {  	_ =	shalt  }
0x46: {  	_ =	shalt  }
0x47: {  	_ =	shalt  }
0x48: {  	_ =	shalt  }
0x49: {  	_ =	shalt  }
0x4a: {  	_ =	shalt  }
0x4b: {  	_ =	shalt  }
0x4c: {  	_ =	shalt  }
0x4d: {  	_ =	shalt  }
0x4e: {  	_ =	shalt  }
0x4f: {  	_ =	shalt  }
0x50: {  	_ =	shalt  }
0x51: {  	_ =	shalt  }
0x52: {  	_ =	shalt  }
0x53: {  	_ =	shalt  }
0x54: {  	_ =	shalt  }
0x55: {  	_ =	shalt  }
0x56: {  	_ =	shalt  }
0x57: {  	_ =	shalt  }
0x58: {  	_ =	shalt  }
0x59: {  	_ =	shalt  }
0x5a: {  	_ =	shalt  }
0x5b: {  	_ =	shalt  }
0x5c: {  	_ =	shalt  }
0x5d: {  	_ =	shalt  }
0x5e: {  	_ =	shalt  }
0x5f: {  	_ =	shalt  }
0x60: {  	_ =	shalt  }
0x61: {  	_ =	shalt  }
0x62: {  	_ =	shalt  }
0x63: {  	_ =	shalt  }
0x64: {  	_ =	shalt  }
0x65: {  	_ =	shalt  }
0x66: {  	_ =	shalt  }
0x67: {  	_ =	shalt  }
0x68: {  	_ =	shalt  }
0x69: {  	_ =	shalt  }
0x6a: {  	_ =	shalt  }
0x6b: {  	_ =	shalt  }
0x6c: {  	_ =	shalt  }
0x6d: {  	_ =	shalt  }
0x6e: {  	_ =	shalt  }
0x6f: {  	_ =	shalt  }
0x70: {  	_ =	shalt  }
0x71: {  	_ =	shalt  }
0x72: {  	_ =	shalt  }
0x73: {  	_ =	shalt  }
0x74: {  	_ =	shalt  }
0x75: {  	_ =	shalt  }
0x76: {  	_ =	shalt  }
0x77: {  	_ =	shalt  }
0x78: {  	_ =	shalt  }
0x79: {  	_ =	shalt  }
0x7a: {  	_ =	shalt  }
0x7b: {  	_ =	shalt  }
0x7c: {  	_ =	shalt  }
0x7d: {  	_ =	shalt  }
0x7e: {  	_ =	shalt  }
0x7f: {  	_ =	shalt  }
0x80: {  	_ =	shalt  }
0x81: {  	_ =	shalt  }
0x82: {  	_ =	shalt  }
0x83: {  	_ =	shalt  }
0x84: {  	_ =	shalt  }
0x85: {  	_ =	shalt  }
0x86: {  	_ =	shalt  }
0x87: {  	_ =	shalt  }
.Lfunc_end0:
.L_simem_size_0:
called_computation_lowered:
.L_overlay_start_0:
0x88: {  	s2 =	sld [smem:$0x3FD9]  }
0x89: {  	s3 =	sld [smem:$0x3FFE];
	_ =	sdelay $0x1  }
0x8a: {  	s1 =	srdreg.scid  }
0x8b: {  	s0 =	sand.u32 $0x1, s1  }
0x8c: {  	s17 =	sshll.u32 s0, $0xA;
	s2 =	sadd.s32 s3, s2  }
0x8d: {  	s2 =	sadd.s32 s2, s17  }
0x8e: {  	[smem:$0x3FC3] =	sst s2  }
0x8f: {  	_ = 	snop  }
0x90: {  	s2 =	sld [smem:$0x3FC6]  }
0x91: {  	s18 =	sld [smem:$0x3FC5]  }
0x92: {  	s4 =	sld [smem:$0x3FD0];
	(tm) =	ssettm $0x1  }
0x93: {  	s5 =	sld [smem:$0x3FFB];
	_ =	sdelay $0x3  }
0x94: {  	_ =	strace s5  }
0x95: {  	s5 =	sld [smem:$0x3FFC];
	_ =	sdelay $0x3  }
0x96: {  	_ =	strace s5  }
0x97: {  	s5 =	sld [smem:$0x3FFD];
	_ =	sdelay $0x3  }
0x98: {  	_ =	strace s5  }
0x99: {  	_ =	strace $0x8FFFFFFF  }
0x9a: {  	s19 =	sld [smem:$0x3FDB];
	_ =	sdelay $0x1  }
0x9b: {  	s6 =	simm.s32 $_scs_section_size  }
0x9c: {  	s7 =	simm.s32 $_size__tile_overlayer_lowered;
	s8 =	simm.s32 $_tile_overlayer_lowered  }
0x9d: {  	s22 =	simm.s32 $0x1BFF;
	s21 =	sshll.u32 s8, $0x1;
	s5 =	sadd.s32 s6, s19  }
0x9e: {  	s9 =	simm.s32 $0x0;
	s20 =	sshll.u32 s7, $0x1;
	s7 =	sadd.s32 s21, s5  }
0x9f: {  	[timem:s9], [sflag:s22] =	dma.local [hbm:s7], s20  }
0xa0: {  	_ =	swait.ge [sflag:s22], s20  }
0xa1: {  	s6 =	ssub.s32 $0x0, s20;
	[sflag:s22] =	ssyncset.done $0x0  }
0xa2: {  	[sflag:s22] =	ssyncadd.s32 s6;
	_ =	sdelay $0x1  }
0xa3: {  	s23 =	simm.s32 $0x1B8B  }
0xa4: {  	_ =	swait.ge [sflag:s23], $0x1  }
0xa5: {  	[sflag:s23] =	ssyncset.done $0x0  }
0xa6: {  	s25 =	simm.s32 $0x1B8E;
	s24 =	sld [smem:$0x3FFE];
	[sflag:s23] =	ssyncadd.s32 $0xFFFFFFFF  }
0xa7: {  	s26 =	simm.s32 $execute0_lowered;
	[smem:$0x3FD2] =	sst s25  }
0xa8: {  	s7 =	sshll.u32 s26, $0x1;
	_ =	strace $0x80000046;
	[dreg:$0x1] =	wrdreg $0xFFFFFFFF  }
0xa9: {  	s28 =	simm.s32 $_size_execute0_lowered;
	s5 =	sadd.s32 s5, s7;
	[dreg:$0x0] =	wrdreg $0x0  }
0xaa: {  	s7 =	sshll.u32 s28, $0x1;
	[dreg:$0x2] =	wrdreg s5  }
0xab: {  	[dreg:$0x3] =	wrdreg s7  }
0xac: {  	[dreg:$0x4] =	wrdreg $0xC0  }
0xad: {  	_ =	task [dreg:s9], $0x5FFFF  }
0xae: {  	[dreg:$0x1] =	wrdreg $0xFFFFFFFF  }
0xaf: {  	[dreg:$0x0] =	wrdreg $0x60  }
0xb0: {  	[dreg:$0x2] =	wrdreg s2  }
0xb1: {  	[dreg:$0x3] =	wrdreg s18  }
0xb2: {  	[dreg:$0x4] =	wrdreg s24  }
0xb3: {  	[dreg:$0x5] =	wrdreg s4  }
0xb4: {  	[dreg:$0x6] =	wrdreg $0x14000  }
0xb5: {  	[dreg:$0x7] =	wrdreg $0x9  }
0xb6: {  	_ =	task.clear_ibuf [dreg:s9], $0x8FFFF;
	_ =	strace $0x90000046  }
0xb7: {  	s29 =	simm.s32 $0x9;
	_ =	strace $0x80000048  }
0xb8: {  	_ =	swait.ge [sflag:s29], $0x1  }
0xb9: {  	[sflag:s29] =	ssyncadd.s32 $0xFFFFFFFF  }
0xba: {  	_ =	strace $0x90000048  }
0xbb: {  	_ =	sfence  }
0xbc: {  	s30 =	sld [smem:$0x0];
	_ =	sdelay $0x2  }
0xbd: {  	s31 =	sshll.u32 s1, $0xD;
	s1 =	sshrl.u32 s1, $0x2  }
0xbe: {  	s3 =	sand.u32 $0x4000, s31;
	s1 =	sadd.s32 s1, s30  }
0xbf: {  	s0 =	sor.u32 s3, s0;
	s1 =	sshll.u32 s1, $0x11  }
0xc0: {  	s0 =	sor.u32 s1, s0  }
0xc1: {  	s0 =	sadd.s32 $0x8F2B, s0  }
0xc2: {  	[sflag:s0] =	ssyncadd.remote.s32 $0x1  }
0xc3: {  	_ =	sfence.sel $0xFFFF  }
0xc4: {  	[dreg:$0x0] =	wrdreg $0xFFFFFFFF;
	(pc) =	sbr.abs _section_cstart, $3  }
0xc5: {  	[dreg:$0x1] =	wrdreg $0xFFFFFFFF  }
0xc6: {  	_ =	task.clear_ibuf [dreg:s9], $0x2FFFF;
	_ =	strace $0x9FFFFFFF  }
0xc7: {  	(tm) =	ssettm $0x7FFFFFFF  }
tec
execute0_lowered:
.L_overlay_start_1:
0x0: {  	(tag) =	ssettag $0x1  }
0x1: {  	s2 =	srdreg.scid  }
0x2: {  	s7 =	sand.u32 $0x1, s2;
	s2 =	stileid.u32  }
0x3: {  	s8 =	sor.u32 s2, s7  }
0x4: {  	s0 =	rddreg [dreg:$0x0];
	p0 =	sne.s32 s8, $0x0  }
.Ltmp0:
0x5: {  	s1 =	rddreg [dreg:$0x1];
	(pc) =	sbr.rel @p0 .LBB2_3-.Ltmp0, $4  }
0x6: {  	s6 =	rddreg [dreg:$0x2]  }
0x7: {  	s4 =	rddreg [dreg:$0x3]  }
0x8: {  	s5 =	rddreg [dreg:$0x4]  }
0x9: {  	s3 =	rddreg [dreg:$0x5];
	_ =	strace $0x80000047  }
0xa: {  	s7 =	ssub.s32 $0x2, s7;
	s6 =	sadd.s32 $0x800, s6  }
0xb: {  	s9 =	simm.s32 $0x1;
	s10 =	simm.s32 $0x100;
	s11 =	simm.s32 $0x200  }
0xc: {  	s12 =	simm.s32 $0x400;
	s13 =	simm.s32 $0x300;
	s8 =	sshrl.u32 s7, $0x1  }
0xd: {  	v0 =	vimm.f32 $0.0e+00;
	s14 =	simm.s32 $0xC00;
	s7 =	ssub.s32 s7, s8;
	s8 =	simm.s32 $0x0  }
.LBB2_2:
0xe: {  	[tilespmem:s8], [sflag:$0x1] =	stream.linear.gather [hbm4b:s0+s8], $0x100, $0x38;
	[tilespmem:$0x1480] =	vst v63  }
0xf: {  	_ =	swait.ge [sflag:s9], $0x100  }
0x10: {  	[sflag:s9] =	ssyncset.done $0x0  }
0x11: {  	[sflag:s9] =	ssyncadd.s32 $0xFFFFFF00  }
0x12: {  	[tilespmem:s10], [sflag:$0x1] =	stream.linear.gather [hbm4b:s1+s8], $0x100, $0x38;
	[tilespmem:$0x1480] =	vst v63  }
0x13: {  	_ =	swait.ge [sflag:s9], $0x100  }
0x14: {  	[sflag:s9] =	ssyncset.done $0x0  }
0x15: {  	[sflag:s9] =	ssyncadd.s32 $0xFFFFFF00  }
0x16: {  	[tilespmem:s11], [sflag:$0x1] =	stream.linear.gather [hbm4b:s6+s8], $0x100, $0x38;
	[tilespmem:$0x1480] =	vst v63  }
0x17: {  	_ =	swait.ge [sflag:s9], $0x100  }
0x18: {  	[sflag:s9] =	ssyncset.done $0x0  }
0x19: {  	[sflag:s9] =	ssyncadd.s32 $0xFFFFFF00  }
0x1a: {  	[tilespmem:$0x400] =	vst v0  }
0x1b: {  	[tilespmem:$0x410] =	vst v0  }
0x1c: {  	[tilespmem:$0x420] =	vst v0  }
0x1d: {  	[tilespmem:$0x430] =	vst v0  }
0x1e: {  	[tilespmem:$0x440] =	vst v0  }
0x1f: {  	[tilespmem:$0x450] =	vst v0  }
0x20: {  	[tilespmem:$0x460] =	vst v0  }
0x21: {  	[tilespmem:$0x470] =	vst v0  }
0x22: {  	[tilespmem:$0x480] =	vst v0  }
0x23: {  	[tilespmem:$0x490] =	vst v0  }
0x24: {  	[tilespmem:$0x4A0] =	vst v0  }
0x25: {  	[tilespmem:$0x4B0] =	vst v0  }
0x26: {  	[tilespmem:$0x4C0] =	vst v0  }
0x27: {  	[tilespmem:$0x4D0] =	vst v0  }
0x28: {  	[tilespmem:$0x4E0] =	vst v0  }
0x29: {  	[tilespmem:$0x4F0] =	vst v0  }
0x2a: {  	[tilespmem:$0x500] =	vst v0  }
0x2b: {  	[tilespmem:$0x510] =	vst v0  }
0x2c: {  	[tilespmem:$0x520] =	vst v0  }
0x2d: {  	[tilespmem:$0x530] =	vst v0  }
0x2e: {  	[tilespmem:$0x540] =	vst v0  }
0x2f: {  	[tilespmem:$0x550] =	vst v0  }
0x30: {  	[tilespmem:$0x560] =	vst v0  }
0x31: {  	[tilespmem:$0x570] =	vst v0  }
0x32: {  	[tilespmem:$0x580] =	vst v0  }
0x33: {  	[tilespmem:$0x590] =	vst v0  }
0x34: {  	[tilespmem:$0x5A0] =	vst v0  }
0x35: {  	[tilespmem:$0x5B0] =	vst v0  }
0x36: {  	[tilespmem:$0x5C0] =	vst v0  }
0x37: {  	[tilespmem:$0x5D0] =	vst v0  }
0x38: {  	[tilespmem:$0x5E0] =	vst v0  }
0x39: {  	[tilespmem:$0x5F0] =	vst v0  }
0x3a: {  	[tilespmem:$0x600] =	vst v0  }
0x3b: {  	[tilespmem:$0x610] =	vst v0  }
0x3c: {  	[tilespmem:$0x620] =	vst v0  }
0x3d: {  	[tilespmem:$0x630] =	vst v0  }
0x3e: {  	[tilespmem:$0x640] =	vst v0  }
0x3f: {  	[tilespmem:$0x650] =	vst v0  }
0x40: {  	[tilespmem:$0x660] =	vst v0  }
0x41: {  	[tilespmem:$0x670] =	vst v0  }
0x42: {  	[tilespmem:$0x680] =	vst v0  }
0x43: {  	[tilespmem:$0x690] =	vst v0  }
0x44: {  	[tilespmem:$0x6A0] =	vst v0  }
0x45: {  	[tilespmem:$0x6B0] =	vst v0  }
0x46: {  	[tilespmem:$0x6C0] =	vst v0  }
0x47: {  	[tilespmem:$0x6D0] =	vst v0  }
0x48: {  	[tilespmem:$0x6E0] =	vst v0;
	v1 =	vld [tilespmem:$0x0]  }
0x49: {  	[tilespmem:$0x6F0] =	vst v0;
	v2 =	vld [tilespmem:$0x200]  }
0x4a: {  	[tilespmem:$0x700] =	vst v0  }
0x4b: {  	[tilespmem:$0x710] =	vst v0  }
0x4c: {  	[tilespmem:$0x720] =	vst v0  }
0x4d: {  	[tilespmem:$0x730] =	vst v0;
	v1 =	vshll.u32 v1, $0x7  }
0x4e: {  	[tilespmem:$0x740] =	vst v0;
	v1 =	vadd.s32 v2, v1;
	v2 =	vld [tilespmem:$0x10]  }
0x4f: {  	[tilespmem:$0x300] =	vst v1;
	v1 =	vld [tilespmem:$0x210]  }
0x50: {  	[tilespmem:$0x750] =	vst v0  }
0x51: {  	[tilespmem:$0x760] =	vst v0  }
0x52: {  	[tilespmem:$0x770] =	vst v0  }
0x53: {  	[tilespmem:$0x780] =	vst v0;
	v2 =	vshll.u32 v2, $0x7  }
0x54: {  	[tilespmem:$0x790] =	vst v0;
	v1 =	vadd.s32 v1, v2;
	v2 =	vld [tilespmem:$0x20]  }
0x55: {  	[tilespmem:$0x310] =	vst v1;
	v1 =	vld [tilespmem:$0x220]  }
0x56: {  	[tilespmem:$0x7A0] =	vst v0  }
0x57: {  	[tilespmem:$0x7B0] =	vst v0  }
0x58: {  	[tilespmem:$0x7C0] =	vst v0  }
0x59: {  	[tilespmem:$0x7D0] =	vst v0;
	v2 =	vshll.u32 v2, $0x7  }
0x5a: {  	[tilespmem:$0x7E0] =	vst v0;
	v1 =	vadd.s32 v1, v2;
	v2 =	vld [tilespmem:$0x30]  }
0x5b: {  	[tilespmem:$0x320] =	vst v1;
	v1 =	vld [tilespmem:$0x230]  }
0x5c: {  	[tilespmem:$0x7F0] =	vst v0  }
0x5d: {  	[tilespmem:$0x800] =	vst v0  }
0x5e: {  	[tilespmem:$0x810] =	vst v0  }
0x5f: {  	[tilespmem:$0x820] =	vst v0;
	v2 =	vshll.u32 v2, $0x7  }
0x60: {  	[tilespmem:$0x830] =	vst v0;
	v1 =	vadd.s32 v1, v2;
	v2 =	vld [tilespmem:$0x40]  }
0x61: {  	[tilespmem:$0x330] =	vst v1;
	v1 =	vld [tilespmem:$0x240]  }
0x62: {  	[tilespmem:$0x840] =	vst v0  }
0x63: {  	[tilespmem:$0x850] =	vst v0  }
0x64: {  	[tilespmem:$0x860] =	vst v0  }
0x65: {  	[tilespmem:$0x870] =	vst v0;
	v2 =	vshll.u32 v2, $0x7  }
0x66: {  	[tilespmem:$0x880] =	vst v0;
	v1 =	vadd.s32 v1, v2;
	v2 =	vld [tilespmem:$0x50]  }
0x67: {  	[tilespmem:$0x340] =	vst v1;
	v1 =	vld [tilespmem:$0x250]  }
0x68: {  	[tilespmem:$0x890] =	vst v0  }
0x69: {  	[tilespmem:$0x8A0] =	vst v0  }
0x6a: {  	[tilespmem:$0x8B0] =	vst v0  }
0x6b: {  	[tilespmem:$0x8C0] =	vst v0;
	v2 =	vshll.u32 v2, $0x7  }
0x6c: {  	[tilespmem:$0x8D0] =	vst v0;
	v1 =	vadd.s32 v1, v2;
	v2 =	vld [tilespmem:$0x60]  }
0x6d: {  	[tilespmem:$0x350] =	vst v1;
	v1 =	vld [tilespmem:$0x260]  }
0x6e: {  	[tilespmem:$0x8E0] =	vst v0  }
0x6f: {  	[tilespmem:$0x8F0] =	vst v0  }
0x70: {  	[tilespmem:$0x900] =	vst v0  }
0x71: {  	[tilespmem:$0x910] =	vst v0;
	v2 =	vshll.u32 v2, $0x7  }
0x72: {  	[tilespmem:$0x920] =	vst v0;
	v1 =	vadd.s32 v1, v2;
	v2 =	vld [tilespmem:$0x70]  }
0x73: {  	[tilespmem:$0x360] =	vst v1;
	v1 =	vld [tilespmem:$0x270]  }
0x74: {  	[tilespmem:$0x930] =	vst v0  }
0x75: {  	[tilespmem:$0x940] =	vst v0  }
0x76: {  	[tilespmem:$0x950] =	vst v0  }
0x77: {  	[tilespmem:$0x960] =	vst v0;
	v2 =	vshll.u32 v2, $0x7  }
0x78: {  	[tilespmem:$0x970] =	vst v0;
	v1 =	vadd.s32 v1, v2;
	v2 =	vld [tilespmem:$0x80]  }
0x79: {  	[tilespmem:$0x370] =	vst v1;
	v1 =	vld [tilespmem:$0x280]  }
0x7a: {  	[tilespmem:$0x980] =	vst v0  }
0x7b: {  	[tilespmem:$0x990] =	vst v0  }
0x7c: {  	[tilespmem:$0x9A0] =	vst v0  }
0x7d: {  	[tilespmem:$0x9B0] =	vst v0;
	v2 =	vshll.u32 v2, $0x7  }
0x7e: {  	[tilespmem:$0x9C0] =	vst v0;
	v1 =	vadd.s32 v1, v2;
	v2 =	vld [tilespmem:$0x90]  }
0x7f: {  	[tilespmem:$0x380] =	vst v1;
	v1 =	vld [tilespmem:$0x290]  }
0x80: {  	[tilespmem:$0x9D0] =	vst v0  }
0x81: {  	[tilespmem:$0x9E0] =	vst v0  }
0x82: {  	[tilespmem:$0x9F0] =	vst v0  }
0x83: {  	[tilespmem:$0xA00] =	vst v0;
	v2 =	vshll.u32 v2, $0x7  }
0x84: {  	[tilespmem:$0xA10] =	vst v0;
	v1 =	vadd.s32 v1, v2;
	v2 =	vld [tilespmem:$0xA0]  }
0x85: {  	[tilespmem:$0x390] =	vst v1;
	v1 =	vld [tilespmem:$0x2A0]  }
0x86: {  	[tilespmem:$0xA20] =	vst v0  }
0x87: {  	[tilespmem:$0xA30] =	vst v0  }
0x88: {  	[tilespmem:$0xA40] =	vst v0  }
0x89: {  	[tilespmem:$0xA50] =	vst v0;
	v2 =	vshll.u32 v2, $0x7  }
0x8a: {  	[tilespmem:$0xA60] =	vst v0;
	v1 =	vadd.s32 v1, v2;
	v2 =	vld [tilespmem:$0xB0]  }
0x8b: {  	[tilespmem:$0x3A0] =	vst v1;
	v1 =	vld [tilespmem:$0x2B0]  }
0x8c: {  	[tilespmem:$0xA70] =	vst v0  }
0x8d: {  	[tilespmem:$0xA80] =	vst v0  }
0x8e: {  	[tilespmem:$0xA90] =	vst v0  }
0x8f: {  	[tilespmem:$0xAA0] =	vst v0;
	v2 =	vshll.u32 v2, $0x7  }
0x90: {  	[tilespmem:$0xAB0] =	vst v0;
	v1 =	vadd.s32 v1, v2;
	v2 =	vld [tilespmem:$0xC0]  }
0x91: {  	[tilespmem:$0x3B0] =	vst v1;
	v1 =	vld [tilespmem:$0x2C0]  }
0x92: {  	[tilespmem:$0xAC0] =	vst v0  }
0x93: {  	[tilespmem:$0xAD0] =	vst v0  }
0x94: {  	[tilespmem:$0xAE0] =	vst v0  }
0x95: {  	[tilespmem:$0xAF0] =	vst v0;
	v2 =	vshll.u32 v2, $0x7  }
0x96: {  	[tilespmem:$0xB00] =	vst v0;
	v1 =	vadd.s32 v1, v2;
	v2 =	vld [tilespmem:$0xD0]  }
0x97: {  	[tilespmem:$0x3C0] =	vst v1;
	v1 =	vld [tilespmem:$0x2D0]  }
0x98: {  	[tilespmem:$0xB10] =	vst v0  }
0x99: {  	[tilespmem:$0xB20] =	vst v0  }
0x9a: {  	[tilespmem:$0xB30] =	vst v0  }
0x9b: {  	[tilespmem:$0xB40] =	vst v0;
	v2 =	vshll.u32 v2, $0x7  }
0x9c: {  	[tilespmem:$0xB50] =	vst v0;
	v1 =	vadd.s32 v1, v2;
	v2 =	vld [tilespmem:$0xE0]  }
0x9d: {  	[tilespmem:$0x3D0] =	vst v1;
	v1 =	vld [tilespmem:$0x2E0]  }
0x9e: {  	[tilespmem:$0xB60] =	vst v0  }
0x9f: {  	[tilespmem:$0xB70] =	vst v0  }
0xa0: {  	[tilespmem:$0xB80] =	vst v0  }
0xa1: {  	[tilespmem:$0xB90] =	vst v0;
	v2 =	vshll.u32 v2, $0x7  }
0xa2: {  	[tilespmem:$0xBA0] =	vst v0;
	v1 =	vadd.s32 v1, v2;
	v2 =	vld [tilespmem:$0xF0]  }
0xa3: {  	[tilespmem:$0x3E0] =	vst v1;
	v1 =	vld [tilespmem:$0x2F0]  }
0xa4: {  	[tilespmem:$0xBB0] =	vst v0  }
0xa5: {  	[tilespmem:$0xBC0] =	vst v0  }
0xa6: {  	[tilespmem:$0xBD0] =	vst v0  }
0xa7: {  	[tilespmem:$0xBE0] =	vst v0;
	v2 =	vshll.u32 v2, $0x7  }
0xa8: {  	[tilespmem:$0xBF0] =	vst v0;
	v1 =	vadd.s32 v1, v2  }
0xa9: {  	[tilespmem:$0x3F0] =	vst v1  }
0xaa: {  	[spmem:s5] =	stream.linear.scatter [tilespmem:s12], [sflag:$0x1], $0x800, $0x38;
	[tilespmem:$0x1480] =	vst v63  }
0xab: {  	_ =	swait.ge [sflag:s9], $0x800  }
0xac: {  	[sflag:s9] =	ssyncset.done $0x0  }
0xad: {  	[sflag:s9] =	ssyncadd.s32 $0xFFFFF800  }
0xae: {  	[spmem:s5] =	stream.indirect.scatter.add.f32 [tilespmem:s10], [sflag:$0x1], $0x1, s13, s10, $0xb8;
	[tilespmem:$0x1480] =	vst v63  }
0xaf: {  	_ =	swait.ge [sflag:s9], $0x100  }
0xb0: {  	[sflag:s9] =	ssyncset.done $0x0  }
0xb1: {  	[sflag:s9] =	ssyncadd.s32 $0xFFFFFF00  }
0xb2: {  	[tilespmem:s14], [sflag:$0x1] =	stream.linear.gather [spmem:s5], $0x800, $0x38;
	[tilespmem:$0x1480] =	vst v63  }
0xb3: {  	_ =	swait.ge [sflag:s9], $0x800  }
0xb4: {  	p0 =	sne.s32 s7, $0x1;
	[sflag:s9] =	ssyncset.done $0x0  }
.Ltmp1:
0xb5: {  	[sflag:s9] =	ssyncadd.s32 $0xFFFFF800;
	(pc) =	sbr.rel @p0 .LBB2_2-.Ltmp1, $4  }
0xb6: {  	[hbm4b:s4+s8] =	stream.linear.scatter [tilespmem:s14], [sflag:$0x1], $0x800, $0x38;
	[tilespmem:$0x1480] =	vst v63  }
0xb7: {  	_ =	swait.ge [sflag:s9], $0x800  }
0xb8: {  	[sflag:s9] =	ssyncset.done $0x0  }
0xb9: {  	s7 =	sadd.s32 $0xFFFFFFFF, s7;
	[sflag:s9] =	ssyncadd.s32 $0xFFFFF800  }
.LBB2_3:
0xba: {  	_ =	sfence.sel $0x180000  }
0xbb: {  	[bflag:$0x0] =	sbarrier.arrive $0xFFFF  }
0xbc: {  	p0 =	sne.s32 s2, $0x0;
	_ =	strace $0x90000047  }
0xbd: {  	s0 =	sadd.s32 @!p0 $0x100000, s3;
	[bflag:$0x2] =	sbarrier.arrive $0xFFFF  }
0xbe: {  	[sflag:s0] =	ssyncadd.tile.s32 @!p0 $0x1;
	_ =	shalt  }
.Lfunc_end2:
_tile_overlayer_lowered:
.L_overlay_start_2:
0xbf: {  	(tag) =	ssettag $0x2  }
0xc0: {  	s0 =	rddreg [dreg:$0x0];
	s2 =	stileid.u32  }
0xc1: {  	s1 =	rddreg [dreg:$0x1];
	p0 =	sne.s32 s2, $0x0  }
0xc2: {  	s3 =	rddreg [dreg:$0x2];
	[bflag:$0x3] =	sbarrier.arrive $0xFFFF;
	s2 =	simm.s32 @!p0 $0x1C01  }
0xc3: {  	[timem:s3], [sflag:s2] =	dma.local @!p0 [hbm:s0], s1  }
0xc4: {  	s0 =	simm.s32 @!p0 $0x1  }
0xc5: {  	_ =	swait.ge @!p0 [sflag:s0], s1  }
0xc6: {  	s1 =	ssub.s32 @!p0 $0x0, s1;
	[sflag:s0] =	ssyncset.done @!p0 $0x0  }
0xc7: {  	[sflag:s0] =	ssyncadd.s32 @!p0 s1  }
0xc8: {  	[bflag:$0x3] =	sbarrier.arrive $0xFFFF  }
0xc9: {  	_ =	shalt  }

</sc_bundles>
